<compile_context>
chip_gen: v7x
topology: tpu7x:2x2x1
jax: 0.10.2.dev20260603
libtpu: 0.0.44.dev20260713+nightly
codegen_flags: <defaults>
</compile_context>

<pallas_src>
import functools

import jax
import jax.numpy as jnp
from jax import lax
from jax.experimental import pallas as pl
from jax.experimental.pallas import tpu as pltpu
from jax.experimental.pallas import tpu_sc as plsc

E = 64
H = 768
HP = 384
HD = 384
CAP = 160
TBLK = 1024
DUMP = E * CAP
BUF_ROWS = E * CAP + 8
EBLK = 4
Y_ROWS = (E + EBLK) * CAP

NW = 32
CHUNK = 128
NCH = 2


SUB = 256
NSUB = TBLK // SUB


def _routing_kernel(x_ref, gw_ref, slot_ref, xbf_ref, carry_ref):
    i = pl.program_id(0)

    @pl.when(i == 0)
    def _():
        carry_ref[...] = jnp.zeros_like(carry_ref)

    rnd = lambda r: ((r + 0x7FFF + ((r >> 16) & 1)) >> 16) & 0xFFFF
    xi = lax.bitcast_convert_type(x_ref[...], jnp.int32)
    xbf_ref[...] = rnd(xi[:, :HP]) | (rnd(xi[:, HP:]) << 16)
    carry = carry_ref[...]
    jj = lax.broadcasted_iota(jnp.int32, (SUB, SUB), 0)
    ii = lax.broadcasted_iota(jnp.int32, (SUB, SUB), 1)
    upper = (jj < ii).astype(jnp.bfloat16)
    for j in range(NSUB):
        xs = x_ref[j * SUB:(j + 1) * SUB, :]
        logits = lax.dot_general(gw_ref[...], xs, (((1,), (1,)), ((), ())),
                                 preferred_element_type=jnp.float32)
        m = jnp.max(logits, axis=0, keepdims=True)
        eio = lax.broadcasted_iota(jnp.int32, (E, SUB), 0)
        e_idx = jnp.min(jnp.where(logits == m, eio, E), axis=0, keepdims=True)
        onehot = eio == e_idx
        prior = lax.dot_general(onehot.astype(jnp.bfloat16), upper,
                                (((1,), (0,)), ((), ())),
                                preferred_element_type=jnp.float32)
        oh_f = onehot.astype(jnp.float32)
        prior_own = jnp.sum(prior * oh_f, axis=0, keepdims=True)
        base_own = jnp.sum(carry * oh_f, axis=0, keepdims=True)
        pos = base_own + prior_own
        e_f = e_idx.astype(jnp.float32)
        slot = jnp.where(pos < float(CAP), e_f * float(CAP) + pos, float(DUMP))
        slot_ref[0, 2 * j:2 * j + 2, :] = slot.astype(jnp.int32).reshape(2, 128)
        carry = carry + jnp.sum(oh_f, axis=1, keepdims=True)
    carry_ref[...] = carry


def _routing(x_flat, gate_w, interpret=False):
    nblk = x_flat.shape[0] // TBLK
    return pl.pallas_call(
        _routing_kernel,
        grid=(nblk,),
        in_specs=[
            pl.BlockSpec((TBLK, H), lambda i: (i, 0)),
            pl.BlockSpec((E, H), lambda i: (0, 0)),
        ],
        out_specs=[
            pl.BlockSpec((1, 2 * NSUB, 128), lambda i: (i, 0, 0)),
            pl.BlockSpec((TBLK, HP), lambda i: (i, 0)),
        ],
        out_shape=[
            jax.ShapeDtypeStruct((nblk, 2 * NSUB, 128), jnp.int32),
            jax.ShapeDtypeStruct((nblk * TBLK, HP), jnp.int32),
        ],
        scratch_shapes=[pltpu.VMEM((E, 1), jnp.float32)],
        interpret=interpret,
    )(x_flat, gate_w)


def _dispatch(x_pk, slot):
    t = x_pk.shape[0]
    tpw = t // NW

    @functools.partial(
        pl.kernel,
        out_type=jax.ShapeDtypeStruct((BUF_ROWS, HP), jnp.int32),
        mesh=plsc.VectorSubcoreMesh(core_axis_name="c", subcore_axis_name="s"),
        scratch_types=[
            pltpu.VMEM((CHUNK,), jnp.int32),
            pltpu.VMEM((CHUNK, HP), jnp.int32),
            pltpu.SemaphoreType.DMA,
        ],
    )
    def run(x_hbm, slot_hbm, buf_hbm, idx_v, rows_v, sem):
        wid = lax.axis_index("s") * 2 + lax.axis_index("c")
        for c in range(NCH):
            base = wid * tpw + c * CHUNK
            pltpu.sync_copy(slot_hbm.at[pl.ds(base, CHUNK)], idx_v)
            pltpu.sync_copy(x_hbm.at[pl.ds(base, CHUNK)], rows_v)
            pltpu.async_copy(rows_v, buf_hbm.at[idx_v], sem).wait()

    return run(x_pk, slot)


def _expert_mm_kernel(a_ref, w1_ref, w2_ref, y_ref):
    g = pl.program_id(0)
    ng = E // EBLK

    @pl.when(g < ng)
    def _():
        for k in range(EBLK):
            ai = a_ref[k * CAP:(k + 1) * CAP, :]
            a_lo = lax.bitcast_convert_type(ai << 16, jnp.float32)
            a_hi = lax.bitcast_convert_type(ai & jnp.int32(-65536),
                                            jnp.float32)
            for half, w_ref in ((0, w1_ref), (1, w2_ref)):
                acc = lax.dot_general(
                    a_lo, w_ref[k][:, :HP], (((1,), (1,)), ((), ())),
                    preferred_element_type=jnp.float32)
                acc += lax.dot_general(
                    a_hi, w_ref[k][:, HP:], (((1,), (1,)), ((), ())),
                    preferred_element_type=jnp.float32)
                y_ref[k * CAP:(k + 1) * CAP,
                      half * HD:(half + 1) * HD] = acc

    @pl.when(g == ng)
    def _():
        y_ref[...] = jnp.zeros_like(y_ref)


def _expert_mm(buf, expert_w, interpret=False):
    ng = E // EBLK
    return pl.pallas_call(
        _expert_mm_kernel,
        grid=(ng + 1,),
        in_specs=[
            pl.BlockSpec((EBLK * CAP, HP), lambda g: (jnp.minimum(g, ng - 1), 0)),
            pl.BlockSpec((EBLK, HD, H), lambda g: (jnp.minimum(g, ng - 1), 0, 0)),
            pl.BlockSpec((EBLK, HD, H), lambda g: (jnp.minimum(g, ng - 1), 1, 0)),
        ],
        out_specs=pl.BlockSpec((EBLK * CAP, H), lambda g: (g, 0)),
        out_shape=jax.ShapeDtypeStruct((Y_ROWS, H), jnp.float32),
        interpret=interpret,
    )(buf, expert_w, expert_w)


def _combine(y, slot):
    t = slot.shape[0]
    tpw = t // NW

    assert tpw == NCH * CHUNK

    @functools.partial(
        pl.kernel,
        out_type=jax.ShapeDtypeStruct((t, H), jnp.float32),
        mesh=plsc.VectorSubcoreMesh(core_axis_name="c", subcore_axis_name="s"),
        scratch_types=[
            pltpu.VMEM((CHUNK,), jnp.int32),
            pltpu.VMEM((CHUNK, H), jnp.float32),
            pltpu.SemaphoreType.DMA,
        ],
    )
    def run(y_hbm, slot_hbm, out_hbm, idx_v, rows_v, sem):
        wid = lax.axis_index("s") * 2 + lax.axis_index("c")
        for c in range(NCH):
            base = wid * tpw + c * CHUNK
            pltpu.sync_copy(slot_hbm.at[pl.ds(base, CHUNK)], idx_v)
            pltpu.async_copy(y_hbm.at[idx_v], rows_v, sem).wait()
            pltpu.sync_copy(rows_v, out_hbm.at[pl.ds(base, CHUNK)])

    return run(y, slot)


def kernel(x, gate_w, expert_w):
    b, s, h = x.shape
    x_flat = x.reshape(b * s, h)
    slot3, x_bf = _routing(x_flat, gate_w)
    slot = slot3.reshape(b * s)
    buf = _dispatch(x_bf, slot)
    y = _expert_mm(buf, expert_w)
    out = _combine(y, slot)
    return out.reshape(b, s, h)

# --- scband reference (transcript-rebuilt; emitter-appended) ---
"""Pipeline reference for scband-simplified-mo-elayer-55430847922818 (READ-ONLY COPY).

The authoritative reference and input builder live on the scoring server;
editing this copy changes nothing except your own understanding.
"""

import jax, jax.numpy as jnp
import numpy as np

NUM_EXPERTS = 64
TOP_K = 1
HIDDEN = 768
CAPACITY_FACTOR = 1.25
TEMP = 1.0
B, S = 2, 4096


def setup_inputs(seed: int = 0) -> dict:
    key = jax.random.key(seed)
    k1, k2, k3 = jax.random.split(key, 3)
    x = jax.random.normal(k1, (B, S, HIDDEN), dtype=jnp.float32)
    gate_w = jax.random.normal(k2, (NUM_EXPERTS, HIDDEN), dtype=jnp.float32) * 0.02
    expert_w = jax.random.normal(k3, (NUM_EXPERTS, HIDDEN, HIDDEN), dtype=jnp.float32) * 0.02
    return {"x": x, "gate_w": gate_w, "expert_w": expert_w}


def _moe_forward(x, gate_w, expert_w):
    b, s, h = x.shape
    x_flat = x.reshape(-1, h)
    T = x_flat.shape[0]
    # gate: nn.Linear(hidden, num_experts, bias=False)
    gate_logits = x_flat @ gate_w.T
    # top-k routing with temperature, softmax over top-k values
    top_vals, top_idx = jax.lax.top_k(gate_logits / TEMP, TOP_K)
    top_probs = jax.nn.softmax(top_vals, axis=-1)
    capacity = int(T * TOP_K / NUM_EXPERTS * CAPACITY_FACTOR)
    # dispatch: token-major, k-minor order (matches the torch double loop)
    flat_e = top_idx.reshape(-1)  # [T*K]
    onehot = jax.nn.one_hot(flat_e, NUM_EXPERTS, dtype=jnp.int32)
    # number of prior assignments to the same expert == slot position (torch
    # position is min(prior_count, capacity); validity mask is identical)
    pos_in_expert = jnp.sum((jnp.cumsum(onehot, axis=0) - onehot) * onehot, axis=1)
    valid = pos_in_expert < capacity
    # overflow assignments write into a dump slot at index `capacity`
    write_pos = jnp.where(valid, pos_in_expert, capacity)
    tokens_rep = jnp.repeat(x_flat, TOP_K, axis=0)
    expert_inputs = jnp.zeros((NUM_EXPERTS, capacity + 1, h), dtype=x.dtype)
    expert_inputs = expert_inputs.at[flat_e, write_pos].set(tokens_rep)
    assign_ids = jnp.arange(T * TOP_K, dtype=jnp.int32)  # token_idx*K + k
    token_map = jnp.full((NUM_EXPERTS, capacity + 1), -1, dtype=jnp.int32)
    token_map = token_map.at[flat_e, write_pos].set(jnp.where(valid, assign_ids, -1))
    expert_inputs = expert_inputs[:, :capacity]
    token_map = token_map[:, :capacity]
    # expert compute: per-expert Linear(hidden, hidden, bias=False).
    # Unfilled slots are zero and bias-free linear keeps them zero, matching
    # the torch masked computation exactly.
    expert_outputs = jnp.einsum('ech,edh->ecd', expert_inputs, expert_w)
    # combine: output[token] += prob * expert_out
    tm = token_map.reshape(-1)
    vmask = tm >= 0
    safe_tm = jnp.where(vmask, tm, 0)
    tok = safe_tm // TOP_K
    wi = safe_tm % TOP_K
    w = top_probs[tok, wi]
    w = jnp.where(vmask, w, 0.0)
    out = jnp.zeros((T, h), dtype=x.dtype).at[tok].add(w[:, None] * expert_outputs.reshape(-1, h))
    return out.reshape(b, s, h)


def reference(x, gate_w, expert_w):
    return _moe_forward(x, gate_w, expert_w)

if __name__ == "__main__":
    import jax
    _d = setup_inputs()
    print(jax.jit(kernel)(*tuple(_d.values())))

</pallas_src>

<mosaic_0001>
#map = affine_map<(d0, d1) -> (0, 0)>
#map1 = affine_map<(d0, d1) -> (0)>
module attributes {stable_mosaic.version = 14 : i64} {
  func.func @run(%arg0: i32, %arg1: i32, %arg2: memref<8192x384xi32, #tpu.memory_space<hbm>>, %arg3: memref<8192xi32, #tpu.memory_space<hbm>>, %arg4: memref<10248x384xi32, #tpu.memory_space<hbm>>, %arg5: memref<128xi32, #tpu.memory_space<vmem>>, %arg6: memref<128x384xi32, #tpu.memory_space<vmem>>, %arg7: memref<!tpu.dma_semaphore, #tpu.memory_space<semaphore_mem>>) attributes {dimension_semantics = [#tpu.dimension_semantics<core_parallel>, #tpu.dimension_semantics<subcore_parallel>], iteration_bounds = array<i64: 2, 16>, scalar_prefetch = 0 : i64, scratch_operands = 3 : i64, tpu.core_type = #tpu.core_type<sc_vector_subcore>, window_params = [{transform_indices = #map}, {transform_indices = #map1}, {transform_indices = #map}]} {
    %mul3A = arith.constant 2 : i32
    %mul3A_0 = arith.muli %arg1, %mul3A : i32
    %add3A = arith.addi %mul3A_0, %arg0 : i32
    %mul3A_1 = arith.constant 256 : i32
    %mul3A_2 = arith.muli %add3A, %mul3A_1 : i32
    %add3A_3 = arith.constant 0 : i32
    %add3A_4 = arith.addi %mul3A_2, %add3A_3 : i32
    "tpu.region"() ({
      %run_scoped3A = tpu.sem_alloc : memref<!tpu.dma_semaphore, #tpu.memory_space<semaphore_mem>>
      %dma_start3A_19 = tpu.memref_slice %arg3[%add3A_4] : memref<8192xi32, #tpu.memory_space<hbm>> -> memref<128xi32, #tpu.memory_space<hbm>>
      %dma_start3A_20 = tpu.memref_slice %arg3[%add3A_4] : memref<8192xi32, #tpu.memory_space<hbm>> -> memref<128xi32, #tpu.memory_space<hbm>>
      tpu.enqueue_dma source(%dma_start3A_20 : memref<128xi32, #tpu.memory_space<hbm>>) target(%arg5 : memref<128xi32, #tpu.memory_space<vmem>>) target_semaphore(%run_scoped3A : memref<!tpu.dma_semaphore, #tpu.memory_space<semaphore_mem>>)
      %dma_wait3A_21 = tpu.memref_slice %arg3[%add3A_4] : memref<8192xi32, #tpu.memory_space<hbm>> -> memref<128xi32, #tpu.memory_space<hbm>>
      %dma_wait3A_22 = tpu.memref_slice %arg3[%add3A_4] : memref<8192xi32, #tpu.memory_space<hbm>> -> memref<128xi32, #tpu.memory_space<hbm>>
      tpu.wait_dma2 semaphore(%run_scoped3A : memref<!tpu.dma_semaphore, #tpu.memory_space<semaphore_mem>>) src(%dma_wait3A_22 : memref<128xi32, #tpu.memory_space<hbm>>) dst(%arg5 : memref<128xi32, #tpu.memory_space<vmem>>)
      tpu.yield
    }) : () -> ()
    "tpu.region"() ({
      %run_scoped3A = tpu.sem_alloc : memref<!tpu.dma_semaphore, #tpu.memory_space<semaphore_mem>>
      %dma_start3A_19 = arith.constant 0 : i32
      %dma_start3A_20 = tpu.memref_slice %arg2[%add3A_4, %dma_start3A_19] : memref<8192x384xi32, #tpu.memory_space<hbm>> -> memref<128x384xi32, #tpu.memory_space<hbm>>
      %dma_start3A_21 = arith.constant 0 : i32
      %dma_start3A_22 = tpu.memref_slice %arg2[%add3A_4, %dma_start3A_21] : memref<8192x384xi32, #tpu.memory_space<hbm>> -> memref<128x384xi32, #tpu.memory_space<hbm>>
      tpu.enqueue_dma source(%dma_start3A_22 : memref<128x384xi32, #tpu.memory_space<hbm>>) target(%arg6 : memref<128x384xi32, #tpu.memory_space<vmem>>) target_semaphore(%run_scoped3A : memref<!tpu.dma_semaphore, #tpu.memory_space<semaphore_mem>>)
      %dma_wait3A_23 = arith.constant 0 : i32
      %dma_wait3A_24 = tpu.memref_slice %arg2[%add3A_4, %dma_wait3A_23] : memref<8192x384xi32, #tpu.memory_space<hbm>> -> memref<128x384xi32, #tpu.memory_space<hbm>>
      %dma_wait3A_25 = arith.constant 0 : i32
      %dma_wait3A_26 = tpu.memref_slice %arg2[%add3A_4, %dma_wait3A_25] : memref<8192x384xi32, #tpu.memory_space<hbm>> -> memref<128x384xi32, #tpu.memory_space<hbm>>
      tpu.wait_dma2 semaphore(%run_scoped3A : memref<!tpu.dma_semaphore, #tpu.memory_space<semaphore_mem>>) src(%dma_wait3A_26 : memref<128x384xi32, #tpu.memory_space<hbm>>) dst(%arg6 : memref<128x384xi32, #tpu.memory_space<vmem>>)
      tpu.yield
    }) : () -> ()
    %dma_start3A = arith.constant 0 : i32
    %dma_start3A_5 = arith.constant 0 : i32
    %dma_start3A_6 = tpu.memref_slice %arg4[%dma_start3A, %dma_start3A_5] : memref<10248x384xi32, #tpu.memory_space<hbm>> -> memref<10248x384xi32, #tpu.memory_space<hbm>>
    tpu.enqueue_indirect_dma source(%arg6 : memref<128x384xi32, #tpu.memory_space<vmem>>) target(%dma_start3A_6 : memref<10248x384xi32, #tpu.memory_space<hbm>>) offsets(%arg5 : memref<128xi32, #tpu.memory_space<vmem>>) semaphore(%arg7 : memref<!tpu.dma_semaphore, #tpu.memory_space<semaphore_mem>>)
    %dma_wait3A = arith.constant 0 : i32
    %dma_wait3A_7 = arith.constant 0 : i32
    %dma_wait3A_8 = tpu.memref_slice %arg4[%dma_wait3A, %dma_wait3A_7] : memref<10248x384xi32, #tpu.memory_space<hbm>> -> memref<10248x384xi32, #tpu.memory_space<hbm>>
    tpu.wait_indirect_dma semaphore(%arg7 : memref<!tpu.dma_semaphore, #tpu.memory_space<semaphore_mem>>) src(%arg6 : memref<128x384xi32, #tpu.memory_space<vmem>>) dst(%dma_wait3A_8 : memref<10248x384xi32, #tpu.memory_space<hbm>>)
    %mul3A_9 = arith.constant 256 : i32
    %mul3A_10 = arith.muli %add3A, %mul3A_9 : i32
    %add3A_11 = arith.constant 128 : i32
    %add3A_12 = arith.addi %mul3A_10, %add3A_11 : i32
    "tpu.region"() ({
      %run_scoped3A = tpu.sem_alloc : memref<!tpu.dma_semaphore, #tpu.memory_space<semaphore_mem>>
      %dma_start3A_19 = tpu.memref_slice %arg3[%add3A_12] : memref<8192xi32, #tpu.memory_space<hbm>> -> memref<128xi32, #tpu.memory_space<hbm>>
      %dma_start3A_20 = tpu.memref_slice %arg3[%add3A_12] : memref<8192xi32, #tpu.memory_space<hbm>> -> memref<128xi32, #tpu.memory_space<hbm>>
      tpu.enqueue_dma source(%dma_start3A_20 : memref<128xi32, #tpu.memory_space<hbm>>) target(%arg5 : memref<128xi32, #tpu.memory_space<vmem>>) target_semaphore(%run_scoped3A : memref<!tpu.dma_semaphore, #tpu.memory_space<semaphore_mem>>)
      %dma_wait3A_21 = tpu.memref_slice %arg3[%add3A_12] : memref<8192xi32, #tpu.memory_space<hbm>> -> memref<128xi32, #tpu.memory_space<hbm>>
      %dma_wait3A_22 = tpu.memref_slice %arg3[%add3A_12] : memref<8192xi32, #tpu.memory_space<hbm>> -> memref<128xi32, #tpu.memory_space<hbm>>
      tpu.wait_dma2 semaphore(%run_scoped3A : memref<!tpu.dma_semaphore, #tpu.memory_space<semaphore_mem>>) src(%dma_wait3A_22 : memref<128xi32, #tpu.memory_space<hbm>>) dst(%arg5 : memref<128xi32, #tpu.memory_space<vmem>>)
      tpu.yield
    }) : () -> ()
    "tpu.region"() ({
      %run_scoped3A = tpu.sem_alloc : memref<!tpu.dma_semaphore, #tpu.memory_space<semaphore_mem>>
      %dma_start3A_19 = arith.constant 0 : i32
      %dma_start3A_20 = tpu.memref_slice %arg2[%add3A_12, %dma_start3A_19] : memref<8192x384xi32, #tpu.memory_space<hbm>> -> memref<128x384xi32, #tpu.memory_space<hbm>>
      %dma_start3A_21 = arith.constant 0 : i32
      %dma_start3A_22 = tpu.memref_slice %arg2[%add3A_12, %dma_start3A_21] : memref<8192x384xi32, #tpu.memory_space<hbm>> -> memref<128x384xi32, #tpu.memory_space<hbm>>
      tpu.enqueue_dma source(%dma_start3A_22 : memref<128x384xi32, #tpu.memory_space<hbm>>) target(%arg6 : memref<128x384xi32, #tpu.memory_space<vmem>>) target_semaphore(%run_scoped3A : memref<!tpu.dma_semaphore, #tpu.memory_space<semaphore_mem>>)
      %dma_wait3A_23 = arith.constant 0 : i32
      %dma_wait3A_24 = tpu.memref_slice %arg2[%add3A_12, %dma_wait3A_23] : memref<8192x384xi32, #tpu.memory_space<hbm>> -> memref<128x384xi32, #tpu.memory_space<hbm>>
      %dma_wait3A_25 = arith.constant 0 : i32
      %dma_wait3A_26 = tpu.memref_slice %arg2[%add3A_12, %dma_wait3A_25] : memref<8192x384xi32, #tpu.memory_space<hbm>> -> memref<128x384xi32, #tpu.memory_space<hbm>>
      tpu.wait_dma2 semaphore(%run_scoped3A : memref<!tpu.dma_semaphore, #tpu.memory_space<semaphore_mem>>) src(%dma_wait3A_26 : memref<128x384xi32, #tpu.memory_space<hbm>>) dst(%arg6 : memref<128x384xi32, #tpu.memory_space<vmem>>)
      tpu.yield
    }) : () -> ()
    %dma_start3A_13 = arith.constant 0 : i32
    %dma_start3A_14 = arith.constant 0 : i32
    %dma_start3A_15 = tpu.memref_slice %arg4[%dma_start3A_13, %dma_start3A_14] : memref<10248x384xi32, #tpu.memory_space<hbm>> -> memref<10248x384xi32, #tpu.memory_space<hbm>>
    tpu.enqueue_indirect_dma source(%arg6 : memref<128x384xi32, #tpu.memory_space<vmem>>) target(%dma_start3A_15 : memref<10248x384xi32, #tpu.memory_space<hbm>>) offsets(%arg5 : memref<128xi32, #tpu.memory_space<vmem>>) semaphore(%arg7 : memref<!tpu.dma_semaphore, #tpu.memory_space<semaphore_mem>>)
    %dma_wait3A_16 = arith.constant 0 : i32
    %dma_wait3A_17 = arith.constant 0 : i32
    %dma_wait3A_18 = tpu.memref_slice %arg4[%dma_wait3A_16, %dma_wait3A_17] : memref<10248x384xi32, #tpu.memory_space<hbm>> -> memref<10248x384xi32, #tpu.memory_space<hbm>>
    tpu.wait_indirect_dma semaphore(%arg7 : memref<!tpu.dma_semaphore, #tpu.memory_space<semaphore_mem>>) src(%arg6 : memref<128x384xi32, #tpu.memory_space<vmem>>) dst(%dma_wait3A_18 : memref<10248x384xi32, #tpu.memory_space<hbm>>)
    return
  }
}

#map = affine_map<(d0, d1) -> (0, 0)>
#map1 = affine_map<(d0, d1) -> (0)>
module attributes {stable_mosaic.version = 14 : i64} {
  func.func @run(%arg0: i32, %arg1: i32, %arg2: memref<10880x768xf32, #tpu.memory_space<hbm>>, %arg3: memref<8192xi32, #tpu.memory_space<hbm>>, %arg4: memref<8192x768xf32, #tpu.memory_space<hbm>>, %arg5: memref<128xi32, #tpu.memory_space<vmem>>, %arg6: memref<128x768xf32, #tpu.memory_space<vmem>>, %arg7: memref<!tpu.dma_semaphore, #tpu.memory_space<semaphore_mem>>) attributes {dimension_semantics = [#tpu.dimension_semantics<core_parallel>, #tpu.dimension_semantics<subcore_parallel>], iteration_bounds = array<i64: 2, 16>, scalar_prefetch = 0 : i64, scratch_operands = 3 : i64, tpu.core_type = #tpu.core_type<sc_vector_subcore>, window_params = [{transform_indices = #map}, {transform_indices = #map1}, {transform_indices = #map}]} {
    %mul3A = arith.constant 2 : i32
    %mul3A_0 = arith.muli %arg1, %mul3A : i32
    %add3A = arith.addi %mul3A_0, %arg0 : i32
    %mul3A_1 = arith.constant 256 : i32
    %mul3A_2 = arith.muli %add3A, %mul3A_1 : i32
    %add3A_3 = arith.constant 0 : i32
    %add3A_4 = arith.addi %mul3A_2, %add3A_3 : i32
    "tpu.region"() ({
      %run_scoped3A = tpu.sem_alloc : memref<!tpu.dma_semaphore, #tpu.memory_space<semaphore_mem>>
      %dma_start3A_19 = tpu.memref_slice %arg3[%add3A_4] : memref<8192xi32, #tpu.memory_space<hbm>> -> memref<128xi32, #tpu.memory_space<hbm>>
      %dma_start3A_20 = tpu.memref_slice %arg3[%add3A_4] : memref<8192xi32, #tpu.memory_space<hbm>> -> memref<128xi32, #tpu.memory_space<hbm>>
      tpu.enqueue_dma source(%dma_start3A_20 : memref<128xi32, #tpu.memory_space<hbm>>) target(%arg5 : memref<128xi32, #tpu.memory_space<vmem>>) target_semaphore(%run_scoped3A : memref<!tpu.dma_semaphore, #tpu.memory_space<semaphore_mem>>)
      %dma_wait3A_21 = tpu.memref_slice %arg3[%add3A_4] : memref<8192xi32, #tpu.memory_space<hbm>> -> memref<128xi32, #tpu.memory_space<hbm>>
      %dma_wait3A_22 = tpu.memref_slice %arg3[%add3A_4] : memref<8192xi32, #tpu.memory_space<hbm>> -> memref<128xi32, #tpu.memory_space<hbm>>
      tpu.wait_dma2 semaphore(%run_scoped3A : memref<!tpu.dma_semaphore, #tpu.memory_space<semaphore_mem>>) src(%dma_wait3A_22 : memref<128xi32, #tpu.memory_space<hbm>>) dst(%arg5 : memref<128xi32, #tpu.memory_space<vmem>>)
      tpu.yield
    }) : () -> ()
    %dma_start3A = arith.constant 0 : i32
    %dma_start3A_5 = arith.constant 0 : i32
    %dma_start3A_6 = tpu.memref_slice %arg2[%dma_start3A, %dma_start3A_5] : memref<10880x768xf32, #tpu.memory_space<hbm>> -> memref<10880x768xf32, #tpu.memory_space<hbm>>
    tpu.enqueue_indirect_dma source(%dma_start3A_6 : memref<10880x768xf32, #tpu.memory_space<hbm>>) target(%arg6 : memref<128x768xf32, #tpu.memory_space<vmem>>) offsets(%arg5 : memref<128xi32, #tpu.memory_space<vmem>>) semaphore(%arg7 : memref<!tpu.dma_semaphore, #tpu.memory_space<semaphore_mem>>)
    %dma_wait3A = arith.constant 0 : i32
    %dma_wait3A_7 = arith.constant 0 : i32
    %dma_wait3A_8 = tpu.memref_slice %arg2[%dma_wait3A, %dma_wait3A_7] : memref<10880x768xf32, #tpu.memory_space<hbm>> -> memref<10880x768xf32, #tpu.memory_space<hbm>>
    tpu.wait_indirect_dma semaphore(%arg7 : memref<!tpu.dma_semaphore, #tpu.memory_space<semaphore_mem>>) src(%dma_wait3A_8 : memref<10880x768xf32, #tpu.memory_space<hbm>>) dst(%arg6 : memref<128x768xf32, #tpu.memory_space<vmem>>)
    "tpu.region"() ({
      %run_scoped3A = tpu.sem_alloc : memref<!tpu.dma_semaphore, #tpu.memory_space<semaphore_mem>>
      %dma_start3A_19 = arith.constant 0 : i32
      %dma_start3A_20 = tpu.memref_slice %arg4[%add3A_4, %dma_start3A_19] : memref<8192x768xf32, #tpu.memory_space<hbm>> -> memref<128x768xf32, #tpu.memory_space<hbm>>
      %dma_start3A_21 = arith.constant 0 : i32
      %dma_start3A_22 = tpu.memref_slice %arg4[%add3A_4, %dma_start3A_21] : memref<8192x768xf32, #tpu.memory_space<hbm>> -> memref<128x768xf32, #tpu.memory_space<hbm>>
      tpu.enqueue_dma source(%arg6 : memref<128x768xf32, #tpu.memory_space<vmem>>) target(%dma_start3A_22 : memref<128x768xf32, #tpu.memory_space<hbm>>) target_semaphore(%run_scoped3A : memref<!tpu.dma_semaphore, #tpu.memory_space<semaphore_mem>>)
      %dma_wait3A_23 = arith.constant 0 : i32
      %dma_wait3A_24 = tpu.memref_slice %arg4[%add3A_4, %dma_wait3A_23] : memref<8192x768xf32, #tpu.memory_space<hbm>> -> memref<128x768xf32, #tpu.memory_space<hbm>>
      %dma_wait3A_25 = arith.constant 0 : i32
      %dma_wait3A_26 = tpu.memref_slice %arg4[%add3A_4, %dma_wait3A_25] : memref<8192x768xf32, #tpu.memory_space<hbm>> -> memref<128x768xf32, #tpu.memory_space<hbm>>
      tpu.wait_dma2 semaphore(%run_scoped3A : memref<!tpu.dma_semaphore, #tpu.memory_space<semaphore_mem>>) src(%arg6 : memref<128x768xf32, #tpu.memory_space<vmem>>) dst(%dma_wait3A_26 : memref<128x768xf32, #tpu.memory_space<hbm>>)
      tpu.yield
    }) : () -> ()
    %mul3A_9 = arith.constant 256 : i32
    %mul3A_10 = arith.muli %add3A, %mul3A_9 : i32
    %add3A_11 = arith.constant 128 : i32
    %add3A_12 = arith.addi %mul3A_10, %add3A_11 : i32
    "tpu.region"() ({
      %run_scoped3A = tpu.sem_alloc : memref<!tpu.dma_semaphore, #tpu.memory_space<semaphore_mem>>
      %dma_start3A_19 = tpu.memref_slice %arg3[%add3A_12] : memref<8192xi32, #tpu.memory_space<hbm>> -> memref<128xi32, #tpu.memory_space<hbm>>
      %dma_start3A_20 = tpu.memref_slice %arg3[%add3A_12] : memref<8192xi32, #tpu.memory_space<hbm>> -> memref<128xi32, #tpu.memory_space<hbm>>
      tpu.enqueue_dma source(%dma_start3A_20 : memref<128xi32, #tpu.memory_space<hbm>>) target(%arg5 : memref<128xi32, #tpu.memory_space<vmem>>) target_semaphore(%run_scoped3A : memref<!tpu.dma_semaphore, #tpu.memory_space<semaphore_mem>>)
      %dma_wait3A_21 = tpu.memref_slice %arg3[%add3A_12] : memref<8192xi32, #tpu.memory_space<hbm>> -> memref<128xi32, #tpu.memory_space<hbm>>
      %dma_wait3A_22 = tpu.memref_slice %arg3[%add3A_12] : memref<8192xi32, #tpu.memory_space<hbm>> -> memref<128xi32, #tpu.memory_space<hbm>>
      tpu.wait_dma2 semaphore(%run_scoped3A : memref<!tpu.dma_semaphore, #tpu.memory_space<semaphore_mem>>) src(%dma_wait3A_22 : memref<128xi32, #tpu.memory_space<hbm>>) dst(%arg5 : memref<128xi32, #tpu.memory_space<vmem>>)
      tpu.yield
    }) : () -> ()
    %dma_start3A_13 = arith.constant 0 : i32
    %dma_start3A_14 = arith.constant 0 : i32
    %dma_start3A_15 = tpu.memref_slice %arg2[%dma_start3A_13, %dma_start3A_14] : memref<10880x768xf32, #tpu.memory_space<hbm>> -> memref<10880x768xf32, #tpu.memory_space<hbm>>
    tpu.enqueue_indirect_dma source(%dma_start3A_15 : memref<10880x768xf32, #tpu.memory_space<hbm>>) target(%arg6 : memref<128x768xf32, #tpu.memory_space<vmem>>) offsets(%arg5 : memref<128xi32, #tpu.memory_space<vmem>>) semaphore(%arg7 : memref<!tpu.dma_semaphore, #tpu.memory_space<semaphore_mem>>)
    %dma_wait3A_16 = arith.constant 0 : i32
    %dma_wait3A_17 = arith.constant 0 : i32
    %dma_wait3A_18 = tpu.memref_slice %arg2[%dma_wait3A_16, %dma_wait3A_17] : memref<10880x768xf32, #tpu.memory_space<hbm>> -> memref<10880x768xf32, #tpu.memory_space<hbm>>
    tpu.wait_indirect_dma semaphore(%arg7 : memref<!tpu.dma_semaphore, #tpu.memory_space<semaphore_mem>>) src(%dma_wait3A_18 : memref<10880x768xf32, #tpu.memory_space<hbm>>) dst(%arg6 : memref<128x768xf32, #tpu.memory_space<vmem>>)
    "tpu.region"() ({
      %run_scoped3A = tpu.sem_alloc : memref<!tpu.dma_semaphore, #tpu.memory_space<semaphore_mem>>
      %dma_start3A_19 = arith.constant 0 : i32
      %dma_start3A_20 = tpu.memref_slice %arg4[%add3A_12, %dma_start3A_19] : memref<8192x768xf32, #tpu.memory_space<hbm>> -> memref<128x768xf32, #tpu.memory_space<hbm>>
      %dma_start3A_21 = arith.constant 0 : i32
      %dma_start3A_22 = tpu.memref_slice %arg4[%add3A_12, %dma_start3A_21] : memref<8192x768xf32, #tpu.memory_space<hbm>> -> memref<128x768xf32, #tpu.memory_space<hbm>>
      tpu.enqueue_dma source(%arg6 : memref<128x768xf32, #tpu.memory_space<vmem>>) target(%dma_start3A_22 : memref<128x768xf32, #tpu.memory_space<hbm>>) target_semaphore(%run_scoped3A : memref<!tpu.dma_semaphore, #tpu.memory_space<semaphore_mem>>)
      %dma_wait3A_23 = arith.constant 0 : i32
      %dma_wait3A_24 = tpu.memref_slice %arg4[%add3A_12, %dma_wait3A_23] : memref<8192x768xf32, #tpu.memory_space<hbm>> -> memref<128x768xf32, #tpu.memory_space<hbm>>
      %dma_wait3A_25 = arith.constant 0 : i32
      %dma_wait3A_26 = tpu.memref_slice %arg4[%add3A_12, %dma_wait3A_25] : memref<8192x768xf32, #tpu.memory_space<hbm>> -> memref<128x768xf32, #tpu.memory_space<hbm>>
      tpu.wait_dma2 semaphore(%run_scoped3A : memref<!tpu.dma_semaphore, #tpu.memory_space<semaphore_mem>>) src(%arg6 : memref<128x768xf32, #tpu.memory_space<vmem>>) dst(%dma_wait3A_26 : memref<128x768xf32, #tpu.memory_space<hbm>>)
      tpu.yield
    }) : () -> ()
    return
  }
}

module attributes {stable_mosaic.version = 14 : i64} {
  func.func @_expert_mm_kernel(%arg0: i32, %arg1: memref<640x384xi32, #tpu.memory_space<vmem>>, %arg2: memref<4x384x768xf32, #tpu.memory_space<vmem>>, %arg3: memref<4x384x768xf32, #tpu.memory_space<vmem>>, %arg4: memref<640x768xf32, #tpu.memory_space<vmem>>) attributes {dimension_semantics = [#tpu.dimension_semantics<arbitrary>], iteration_bounds = array<i64: 17>, scalar_prefetch = 0 : i64, scratch_operands = 0 : i64, tpu.core_type = #tpu.core_type<tc>, window_params = [{transform_indices = @transform_0, window_bounds = array<i64: 640, 384>}, {transform_indices = @transform_1, window_bounds = array<i64: 4, 384, 768>}, {transform_indices = @transform_2, window_bounds = array<i64: 4, 384, 768>}, {transform_indices = @transform_3, window_bounds = array<i64: 640, 768>}]} {
    %lt3A = arith.constant 16 : i32
    %lt3A_0 = arith.cmpi slt, %arg0, %lt3A : i32
    %convert_element_type3A = arith.extui %lt3A_0 : i1 to i32
    %cond3A = arith.constant 0 : i32
    %cond3A_1 = arith.cmpi ne, %convert_element_type3A, %cond3A : i32
    scf.if %cond3A_1 {
      %get3A = arith.constant 0 : index
      %get3A_6 = arith.constant 0 : index
      %get3A_7 = vector.load %arg1[%get3A, %get3A_6] : memref<640x384xi32, #tpu.memory_space<vmem>>, vector<160x384xi32>
      %shift_left3A = arith.constant 16 : i32
      %shift_left3A_8 = vector.broadcast %shift_left3A : i32 to vector<160x384xi32>
      %shift_left3A_9 = arith.shli %get3A_7, %shift_left3A_8 : vector<160x384xi32>
      %bitcast_convert_type3A = tpu.bitcast %shift_left3A_9 : vector<160x384xi32> -> vector<160x384xf32>
      %and3A = arith.constant -65536 : i32
      %and3A_10 = vector.broadcast %and3A : i32 to vector<160x384xi32>
      %and3A_11 = arith.andi %get3A_7, %and3A_10 : vector<160x384xi32>
      %bitcast_convert_type3A_12 = tpu.bitcast %and3A_11 : vector<160x384xi32> -> vector<160x384xf32>
      %get3A_13 = arith.constant 0 : index
      %get3A_14 = arith.constant 0 : index
      %get3A_15 = arith.constant 0 : index
      %get3A_16 = vector.load %arg2[%get3A_13, %get3A_14, %get3A_15] : memref<4x384x768xf32, #tpu.memory_space<vmem>>, vector<1x384x768xf32>
      %get3A_17 = vector.shape_cast %get3A_16 : vector<1x384x768xf32> to vector<384x768xf32>
      %slice3A = vector.extract_strided_slice %get3A_17 {offsets = [0, 0], sizes = [384, 384], strides = [1, 1]} : vector<384x768xf32> to vector<384x384xf32>
      %dot_general3A = arith.constant dense<0.000000e+00> : vector<160x384xf32>
      %dot_general3A_18 = tpu.matmul %bitcast_convert_type3A, %slice3A, %dot_general3A {dimension_numbers = #tpu.dot_dimension_numbers<[1], [1], [0], [0], [0, 0, 1, 0], [], []>, transpose_lhs_hint = false} : vector<160x384xf32>, vector<384x384xf32>, vector<160x384xf32> -> vector<160x384xf32>
      %get3A_19 = arith.constant 0 : index
      %get3A_20 = arith.constant 0 : index
      %get3A_21 = arith.constant 0 : index
      %get3A_22 = vector.load %arg2[%get3A_19, %get3A_20, %get3A_21] : memref<4x384x768xf32, #tpu.memory_space<vmem>>, vector<1x384x768xf32>
      %get3A_23 = vector.shape_cast %get3A_22 : vector<1x384x768xf32> to vector<384x768xf32>
      %slice3A_24 = vector.extract_strided_slice %get3A_23 {offsets = [0, 384], sizes = [384, 384], strides = [1, 1]} : vector<384x768xf32> to vector<384x384xf32>
      %dot_general3A_25 = arith.constant dense<0.000000e+00> : vector<160x384xf32>
      %dot_general3A_26 = tpu.matmul %bitcast_convert_type3A_12, %slice3A_24, %dot_general3A_25 {dimension_numbers = #tpu.dot_dimension_numbers<[1], [1], [0], [0], [0, 0, 1, 0], [], []>, transpose_lhs_hint = false} : vector<160x384xf32>, vector<384x384xf32>, vector<160x384xf32> -> vector<160x384xf32>
      %add3A = arith.addf %dot_general3A_18, %dot_general3A_26 : vector<160x384xf32>
      %swap3A = arith.constant 0 : index
      %swap3A_27 = arith.constant 0 : index
      %swap3A_28 = vector.load %arg4[%swap3A, %swap3A_27] : memref<640x768xf32, #tpu.memory_space<vmem>>, vector<160x384xf32>
      tpu.vector_store %arg4[%swap3A, %swap3A_27], %add3A {strides = array<i32>} : memref<640x768xf32, #tpu.memory_space<vmem>>, vector<160x384xf32>,
      %get3A_29 = arith.constant 0 : index
      %get3A_30 = arith.constant 0 : index
      %get3A_31 = arith.constant 0 : index
      %get3A_32 = vector.load %arg3[%get3A_29, %get3A_30, %get3A_31] : memref<4x384x768xf32, #tpu.memory_space<vmem>>, vector<1x384x768xf32>
      %get3A_33 = vector.shape_cast %get3A_32 : vector<1x384x768xf32> to vector<384x768xf32>
      %slice3A_34 = vector.extract_strided_slice %get3A_33 {offsets = [0, 0], sizes = [384, 384], strides = [1, 1]} : vector<384x768xf32> to vector<384x384xf32>
      %dot_general3A_35 = arith.constant dense<0.000000e+00> : vector<160x384xf32>
      %dot_general3A_36 = tpu.matmul %bitcast_convert_type3A, %slice3A_34, %dot_general3A_35 {dimension_numbers = #tpu.dot_dimension_numbers<[1], [1], [0], [0], [0, 0, 1, 0], [], []>, transpose_lhs_hint = false} : vector<160x384xf32>, vector<384x384xf32>, vector<160x384xf32> -> vector<160x384xf32>
      %get3A_37 = arith.constant 0 : index
      %get3A_38 = arith.constant 0 : index
      %get3A_39 = arith.constant 0 : index
      %get3A_40 = vector.load %arg3[%get3A_37, %get3A_38, %get3A_39] : memref<4x384x768xf32, #tpu.memory_space<vmem>>, vector<1x384x768xf32>
      %get3A_41 = vector.shape_cast %get3A_40 : vector<1x384x768xf32> to vector<384x768xf32>
      %slice3A_42 = vector.extract_strided_slice %get3A_41 {offsets = [0, 384], sizes = [384, 384], strides = [1, 1]} : vector<384x768xf32> to vector<384x384xf32>
      %dot_general3A_43 = arith.constant dense<0.000000e+00> : vector<160x384xf32>
      %dot_general3A_44 = tpu.matmul %bitcast_convert_type3A_12, %slice3A_42, %dot_general3A_43 {dimension_numbers = #tpu.dot_dimension_numbers<[1], [1], [0], [0], [0, 0, 1, 0], [], []>, transpose_lhs_hint = false} : vector<160x384xf32>, vector<384x384xf32>, vector<160x384xf32> -> vector<160x384xf32>
      %add3A_45 = arith.addf %dot_general3A_36, %dot_general3A_44 : vector<160x384xf32>
      %swap3A_46 = arith.constant 0 : index
      %swap3A_47 = arith.constant 384 : index
      %swap3A_48 = vector.load %arg4[%swap3A_46, %swap3A_47] : memref<640x768xf32, #tpu.memory_space<vmem>>, vector<160x384xf32>
      tpu.vector_store %arg4[%swap3A_46, %swap3A_47], %add3A_45 {strides = array<i32>} : memref<640x768xf32, #tpu.memory_space<vmem>>, vector<160x384xf32>,
      %get3A_49 = arith.constant 160 : index
      %get3A_50 = arith.constant 0 : index
      %get3A_51 = vector.load %arg1[%get3A_49, %get3A_50] : memref<640x384xi32, #tpu.memory_space<vmem>>, vector<160x384xi32>
      %shift_left3A_52 = arith.constant 16 : i32
      %shift_left3A_53 = vector.broadcast %shift_left3A_52 : i32 to vector<160x384xi32>
      %shift_left3A_54 = arith.shli %get3A_51, %shift_left3A_53 : vector<160x384xi32>
      %bitcast_convert_type3A_55 = tpu.bitcast %shift_left3A_54 : vector<160x384xi32> -> vector<160x384xf32>
      %and3A_56 = arith.constant -65536 : i32
      %and3A_57 = vector.broadcast %and3A_56 : i32 to vector<160x384xi32>
      %and3A_58 = arith.andi %get3A_51, %and3A_57 : vector<160x384xi32>
      %bitcast_convert_type3A_59 = tpu.bitcast %and3A_58 : vector<160x384xi32> -> vector<160x384xf32>
      %get3A_60 = arith.constant 1 : index
      %get3A_61 = arith.constant 0 : index
      %get3A_62 = arith.constant 0 : index
      %get3A_63 = vector.load %arg2[%get3A_60, %get3A_61, %get3A_62] : memref<4x384x768xf32, #tpu.memory_space<vmem>>, vector<1x384x768xf32>
      %get3A_64 = vector.shape_cast %get3A_63 : vector<1x384x768xf32> to vector<384x768xf32>
      %slice3A_65 = vector.extract_strided_slice %get3A_64 {offsets = [0, 0], sizes = [384, 384], strides = [1, 1]} : vector<384x768xf32> to vector<384x384xf32>
      %dot_general3A_66 = arith.constant dense<0.000000e+00> : vector<160x384xf32>
      %dot_general3A_67 = tpu.matmul %bitcast_convert_type3A_55, %slice3A_65, %dot_general3A_66 {dimension_numbers = #tpu.dot_dimension_numbers<[1], [1], [0], [0], [0, 0, 1, 0], [], []>, transpose_lhs_hint = false} : vector<160x384xf32>, vector<384x384xf32>, vector<160x384xf32> -> vector<160x384xf32>
      %get3A_68 = arith.constant 1 : index
      %get3A_69 = arith.constant 0 : index
      %get3A_70 = arith.constant 0 : index
      %get3A_71 = vector.load %arg2[%get3A_68, %get3A_69, %get3A_70] : memref<4x384x768xf32, #tpu.memory_space<vmem>>, vector<1x384x768xf32>
      %get3A_72 = vector.shape_cast %get3A_71 : vector<1x384x768xf32> to vector<384x768xf32>
      %slice3A_73 = vector.extract_strided_slice %get3A_72 {offsets = [0, 384], sizes = [384, 384], strides = [1, 1]} : vector<384x768xf32> to vector<384x384xf32>
      %dot_general3A_74 = arith.constant dense<0.000000e+00> : vector<160x384xf32>
      %dot_general3A_75 = tpu.matmul %bitcast_convert_type3A_59, %slice3A_73, %dot_general3A_74 {dimension_numbers = #tpu.dot_dimension_numbers<[1], [1], [0], [0], [0, 0, 1, 0], [], []>, transpose_lhs_hint = false} : vector<160x384xf32>, vector<384x384xf32>, vector<160x384xf32> -> vector<160x384xf32>
      %add3A_76 = arith.addf %dot_general3A_67, %dot_general3A_75 : vector<160x384xf32>
      %swap3A_77 = arith.constant 160 : index
      %swap3A_78 = arith.constant 0 : index
      %swap3A_79 = vector.load %arg4[%swap3A_77, %swap3A_78] : memref<640x768xf32, #tpu.memory_space<vmem>>, vector<160x384xf32>
      tpu.vector_store %arg4[%swap3A_77, %swap3A_78], %add3A_76 {strides = array<i32>} : memref<640x768xf32, #tpu.memory_space<vmem>>, vector<160x384xf32>,
      %get3A_80 = arith.constant 1 : index
      %get3A_81 = arith.constant 0 : index
      %get3A_82 = arith.constant 0 : index
      %get3A_83 = vector.load %arg3[%get3A_80, %get3A_81, %get3A_82] : memref<4x384x768xf32, #tpu.memory_space<vmem>>, vector<1x384x768xf32>
      %get3A_84 = vector.shape_cast %get3A_83 : vector<1x384x768xf32> to vector<384x768xf32>
      %slice3A_85 = vector.extract_strided_slice %get3A_84 {offsets = [0, 0], sizes = [384, 384], strides = [1, 1]} : vector<384x768xf32> to vector<384x384xf32>
      %dot_general3A_86 = arith.constant dense<0.000000e+00> : vector<160x384xf32>
      %dot_general3A_87 = tpu.matmul %bitcast_convert_type3A_55, %slice3A_85, %dot_general3A_86 {dimension_numbers = #tpu.dot_dimension_numbers<[1], [1], [0], [0], [0, 0, 1, 0], [], []>, transpose_lhs_hint = false} : vector<160x384xf32>, vector<384x384xf32>, vector<160x384xf32> -> vector<160x384xf32>
      %get3A_88 = arith.constant 1 : index
      %get3A_89 = arith.constant 0 : index
      %get3A_90 = arith.constant 0 : index
      %get3A_91 = vector.load %arg3[%get3A_88, %get3A_89, %get3A_90] : memref<4x384x768xf32, #tpu.memory_space<vmem>>, vector<1x384x768xf32>
      %get3A_92 = vector.shape_cast %get3A_91 : vector<1x384x768xf32> to vector<384x768xf32>
      %slice3A_93 = vector.extract_strided_slice %get3A_92 {offsets = [0, 384], sizes = [384, 384], strides = [1, 1]} : vector<384x768xf32> to vector<384x384xf32>
      %dot_general3A_94 = arith.constant dense<0.000000e+00> : vector<160x384xf32>
      %dot_general3A_95 = tpu.matmul %bitcast_convert_type3A_59, %slice3A_93, %dot_general3A_94 {dimension_numbers = #tpu.dot_dimension_numbers<[1], [1], [0], [0], [0, 0, 1, 0], [], []>, transpose_lhs_hint = false} : vector<160x384xf32>, vector<384x384xf32>, vector<160x384xf32> -> vector<160x384xf32>
      %add3A_96 = arith.addf %dot_general3A_87, %dot_general3A_95 : vector<160x384xf32>
      %swap3A_97 = arith.constant 160 : index
      %swap3A_98 = arith.constant 384 : index
      %swap3A_99 = vector.load %arg4[%swap3A_97, %swap3A_98] : memref<640x768xf32, #tpu.memory_space<vmem>>, vector<160x384xf32>
      tpu.vector_store %arg4[%swap3A_97, %swap3A_98], %add3A_96 {strides = array<i32>} : memref<640x768xf32, #tpu.memory_space<vmem>>, vector<160x384xf32>,
      %get3A_100 = arith.constant 320 : index
      %get3A_101 = arith.constant 0 : index
      %get3A_102 = vector.load %arg1[%get3A_100, %get3A_101] : memref<640x384xi32, #tpu.memory_space<vmem>>, vector<160x384xi32>
      %shift_left3A_103 = arith.constant 16 : i32
      %shift_left3A_104 = vector.broadcast %shift_left3A_103 : i32 to vector<160x384xi32>
      %shift_left3A_105 = arith.shli %get3A_102, %shift_left3A_104 : vector<160x384xi32>
      %bitcast_convert_type3A_106 = tpu.bitcast %shift_left3A_105 : vector<160x384xi32> -> vector<160x384xf32>
      %and3A_107 = arith.constant -65536 : i32
      %and3A_108 = vector.broadcast %and3A_107 : i32 to vector<160x384xi32>
      %and3A_109 = arith.andi %get3A_102, %and3A_108 : vector<160x384xi32>
      %bitcast_convert_type3A_110 = tpu.bitcast %and3A_109 : vector<160x384xi32> -> vector<160x384xf32>
      %get3A_111 = arith.constant 2 : index
      %get3A_112 = arith.constant 0 : index
      %get3A_113 = arith.constant 0 : index
      %get3A_114 = vector.load %arg2[%get3A_111, %get3A_112, %get3A_113] : memref<4x384x768xf32, #tpu.memory_space<vmem>>, vector<1x384x768xf32>
      %get3A_115 = vector.shape_cast %get3A_114 : vector<1x384x768xf32> to vector<384x768xf32>
      %slice3A_116 = vector.extract_strided_slice %get3A_115 {offsets = [0, 0], sizes = [384, 384], strides = [1, 1]} : vector<384x768xf32> to vector<384x384xf32>
      %dot_general3A_117 = arith.constant dense<0.000000e+00> : vector<160x384xf32>
      %dot_general3A_118 = tpu.matmul %bitcast_convert_type3A_106, %slice3A_116, %dot_general3A_117 {dimension_numbers = #tpu.dot_dimension_numbers<[1], [1], [0], [0], [0, 0, 1, 0], [], []>, transpose_lhs_hint = false} : vector<160x384xf32>, vector<384x384xf32>, vector<160x384xf32> -> vector<160x384xf32>
      %get3A_119 = arith.constant 2 : index
      %get3A_120 = arith.constant 0 : index
      %get3A_121 = arith.constant 0 : index
      %get3A_122 = vector.load %arg2[%get3A_119, %get3A_120, %get3A_121] : memref<4x384x768xf32, #tpu.memory_space<vmem>>, vector<1x384x768xf32>
      %get3A_123 = vector.shape_cast %get3A_122 : vector<1x384x768xf32> to vector<384x768xf32>
      %slice3A_124 = vector.extract_strided_slice %get3A_123 {offsets = [0, 384], sizes = [384, 384], strides = [1, 1]} : vector<384x768xf32> to vector<384x384xf32>
      %dot_general3A_125 = arith.constant dense<0.000000e+00> : vector<160x384xf32>
      %dot_general3A_126 = tpu.matmul %bitcast_convert_type3A_110, %slice3A_124, %dot_general3A_125 {dimension_numbers = #tpu.dot_dimension_numbers<[1], [1], [0], [0], [0, 0, 1, 0], [], []>, transpose_lhs_hint = false} : vector<160x384xf32>, vector<384x384xf32>, vector<160x384xf32> -> vector<160x384xf32>
      %add3A_127 = arith.addf %dot_general3A_118, %dot_general3A_126 : vector<160x384xf32>
      %swap3A_128 = arith.constant 320 : index
      %swap3A_129 = arith.constant 0 : index
      %swap3A_130 = vector.load %arg4[%swap3A_128, %swap3A_129] : memref<640x768xf32, #tpu.memory_space<vmem>>, vector<160x384xf32>
      tpu.vector_store %arg4[%swap3A_128, %swap3A_129], %add3A_127 {strides = array<i32>} : memref<640x768xf32, #tpu.memory_space<vmem>>, vector<160x384xf32>,
      %get3A_131 = arith.constant 2 : index
      %get3A_132 = arith.constant 0 : index
      %get3A_133 = arith.constant 0 : index
      %get3A_134 = vector.load %arg3[%get3A_131, %get3A_132, %get3A_133] : memref<4x384x768xf32, #tpu.memory_space<vmem>>, vector<1x384x768xf32>
      %get3A_135 = vector.shape_cast %get3A_134 : vector<1x384x768xf32> to vector<384x768xf32>
      %slice3A_136 = vector.extract_strided_slice %get3A_135 {offsets = [0, 0], sizes = [384, 384], strides = [1, 1]} : vector<384x768xf32> to vector<384x384xf32>
      %dot_general3A_137 = arith.constant dense<0.000000e+00> : vector<160x384xf32>
      %dot_general3A_138 = tpu.matmul %bitcast_convert_type3A_106, %slice3A_136, %dot_general3A_137 {dimension_numbers = #tpu.dot_dimension_numbers<[1], [1], [0], [0], [0, 0, 1, 0], [], []>, transpose_lhs_hint = false} : vector<160x384xf32>, vector<384x384xf32>, vector<160x384xf32> -> vector<160x384xf32>
      %get3A_139 = arith.constant 2 : index
      %get3A_140 = arith.constant 0 : index
      %get3A_141 = arith.constant 0 : index
      %get3A_142 = vector.load %arg3[%get3A_139, %get3A_140, %get3A_141] : memref<4x384x768xf32, #tpu.memory_space<vmem>>, vector<1x384x768xf32>
      %get3A_143 = vector.shape_cast %get3A_142 : vector<1x384x768xf32> to vector<384x768xf32>
      %slice3A_144 = vector.extract_strided_slice %get3A_143 {offsets = [0, 384], sizes = [384, 384], strides = [1, 1]} : vector<384x768xf32> to vector<384x384xf32>
      %dot_general3A_145 = arith.constant dense<0.000000e+00> : vector<160x384xf32>
      %dot_general3A_146 = tpu.matmul %bitcast_convert_type3A_110, %slice3A_144, %dot_general3A_145 {dimension_numbers = #tpu.dot_dimension_numbers<[1], [1], [0], [0], [0, 0, 1, 0], [], []>, transpose_lhs_hint = false} : vector<160x384xf32>, vector<384x384xf32>, vector<160x384xf32> -> vector<160x384xf32>
      %add3A_147 = arith.addf %dot_general3A_138, %dot_general3A_146 : vector<160x384xf32>
      %swap3A_148 = arith.constant 320 : index
      %swap3A_149 = arith.constant 384 : index
      %swap3A_150 = vector.load %arg4[%swap3A_148, %swap3A_149] : memref<640x768xf32, #tpu.memory_space<vmem>>, vector<160x384xf32>
      tpu.vector_store %arg4[%swap3A_148, %swap3A_149], %add3A_147 {strides = array<i32>} : memref<640x768xf32, #tpu.memory_space<vmem>>, vector<160x384xf32>,
      %get3A_151 = arith.constant 480 : index
      %get3A_152 = arith.constant 0 : index
      %get3A_153 = vector.load %arg1[%get3A_151, %get3A_152] : memref<640x384xi32, #tpu.memory_space<vmem>>, vector<160x384xi32>
      %shift_left3A_154 = arith.constant 16 : i32
      %shift_left3A_155 = vector.broadcast %shift_left3A_154 : i32 to vector<160x384xi32>
      %shift_left3A_156 = arith.shli %get3A_153, %shift_left3A_155 : vector<160x384xi32>
      %bitcast_convert_type3A_157 = tpu.bitcast %shift_left3A_156 : vector<160x384xi32> -> vector<160x384xf32>
      %and3A_158 = arith.constant -65536 : i32
      %and3A_159 = vector.broadcast %and3A_158 : i32 to vector<160x384xi32>
      %and3A_160 = arith.andi %get3A_153, %and3A_159 : vector<160x384xi32>
      %bitcast_convert_type3A_161 = tpu.bitcast %and3A_160 : vector<160x384xi32> -> vector<160x384xf32>
      %get3A_162 = arith.constant 3 : index
      %get3A_163 = arith.constant 0 : index
      %get3A_164 = arith.constant 0 : index
      %get3A_165 = vector.load %arg2[%get3A_162, %get3A_163, %get3A_164] : memref<4x384x768xf32, #tpu.memory_space<vmem>>, vector<1x384x768xf32>
      %get3A_166 = vector.shape_cast %get3A_165 : vector<1x384x768xf32> to vector<384x768xf32>
      %slice3A_167 = vector.extract_strided_slice %get3A_166 {offsets = [0, 0], sizes = [384, 384], strides = [1, 1]} : vector<384x768xf32> to vector<384x384xf32>
      %dot_general3A_168 = arith.constant dense<0.000000e+00> : vector<160x384xf32>
      %dot_general3A_169 = tpu.matmul %bitcast_convert_type3A_157, %slice3A_167, %dot_general3A_168 {dimension_numbers = #tpu.dot_dimension_numbers<[1], [1], [0], [0], [0, 0, 1, 0], [], []>, transpose_lhs_hint = false} : vector<160x384xf32>, vector<384x384xf32>, vector<160x384xf32> -> vector<160x384xf32>
      %get3A_170 = arith.constant 3 : index
      %get3A_171 = arith.constant 0 : index
      %get3A_172 = arith.constant 0 : index
      %get3A_173 = vector.load %arg2[%get3A_170, %get3A_171, %get3A_172] : memref<4x384x768xf32, #tpu.memory_space<vmem>>, vector<1x384x768xf32>
      %get3A_174 = vector.shape_cast %get3A_173 : vector<1x384x768xf32> to vector<384x768xf32>
      %slice3A_175 = vector.extract_strided_slice %get3A_174 {offsets = [0, 384], sizes = [384, 384], strides = [1, 1]} : vector<384x768xf32> to vector<384x384xf32>
      %dot_general3A_176 = arith.constant dense<0.000000e+00> : vector<160x384xf32>
      %dot_general3A_177 = tpu.matmul %bitcast_convert_type3A_161, %slice3A_175, %dot_general3A_176 {dimension_numbers = #tpu.dot_dimension_numbers<[1], [1], [0], [0], [0, 0, 1, 0], [], []>, transpose_lhs_hint = false} : vector<160x384xf32>, vector<384x384xf32>, vector<160x384xf32> -> vector<160x384xf32>
      %add3A_178 = arith.addf %dot_general3A_169, %dot_general3A_177 : vector<160x384xf32>
      %swap3A_179 = arith.constant 480 : index
      %swap3A_180 = arith.constant 0 : index
      %swap3A_181 = vector.load %arg4[%swap3A_179, %swap3A_180] : memref<640x768xf32, #tpu.memory_space<vmem>>, vector<160x384xf32>
      tpu.vector_store %arg4[%swap3A_179, %swap3A_180], %add3A_178 {strides = array<i32>} : memref<640x768xf32, #tpu.memory_space<vmem>>, vector<160x384xf32>,
      %get3A_182 = arith.constant 3 : index
      %get3A_183 = arith.constant 0 : index
      %get3A_184 = arith.constant 0 : index
      %get3A_185 = vector.load %arg3[%get3A_182, %get3A_183, %get3A_184] : memref<4x384x768xf32, #tpu.memory_space<vmem>>, vector<1x384x768xf32>
      %get3A_186 = vector.shape_cast %get3A_185 : vector<1x384x768xf32> to vector<384x768xf32>
      %slice3A_187 = vector.extract_strided_slice %get3A_186 {offsets = [0, 0], sizes = [384, 384], strides = [1, 1]} : vector<384x768xf32> to vector<384x384xf32>
      %dot_general3A_188 = arith.constant dense<0.000000e+00> : vector<160x384xf32>
      %dot_general3A_189 = tpu.matmul %bitcast_convert_type3A_157, %slice3A_187, %dot_general3A_188 {dimension_numbers = #tpu.dot_dimension_numbers<[1], [1], [0], [0], [0, 0, 1, 0], [], []>, transpose_lhs_hint = false} : vector<160x384xf32>, vector<384x384xf32>, vector<160x384xf32> -> vector<160x384xf32>
      %get3A_190 = arith.constant 3 : index
      %get3A_191 = arith.constant 0 : index
      %get3A_192 = arith.constant 0 : index
      %get3A_193 = vector.load %arg3[%get3A_190, %get3A_191, %get3A_192] : memref<4x384x768xf32, #tpu.memory_space<vmem>>, vector<1x384x768xf32>
      %get3A_194 = vector.shape_cast %get3A_193 : vector<1x384x768xf32> to vector<384x768xf32>
      %slice3A_195 = vector.extract_strided_slice %get3A_194 {offsets = [0, 384], sizes = [384, 384], strides = [1, 1]} : vector<384x768xf32> to vector<384x384xf32>
      %dot_general3A_196 = arith.constant dense<0.000000e+00> : vector<160x384xf32>
      %dot_general3A_197 = tpu.matmul %bitcast_convert_type3A_161, %slice3A_195, %dot_general3A_196 {dimension_numbers = #tpu.dot_dimension_numbers<[1], [1], [0], [0], [0, 0, 1, 0], [], []>, transpose_lhs_hint = false} : vector<160x384xf32>, vector<384x384xf32>, vector<160x384xf32> -> vector<160x384xf32>
      %add3A_198 = arith.addf %dot_general3A_189, %dot_general3A_197 : vector<160x384xf32>
      %swap3A_199 = arith.constant 480 : index
      %swap3A_200 = arith.constant 384 : index
      %swap3A_201 = vector.load %arg4[%swap3A_199, %swap3A_200] : memref<640x768xf32, #tpu.memory_space<vmem>>, vector<160x384xf32>
      tpu.vector_store %arg4[%swap3A_199, %swap3A_200], %add3A_198 {strides = array<i32>} : memref<640x768xf32, #tpu.memory_space<vmem>>, vector<160x384xf32>,
    } else {
    }
    %eq3A = arith.constant 16 : i32
    %eq3A_2 = arith.cmpi eq, %arg0, %eq3A : i32
    %convert_element_type3A_3 = arith.extui %eq3A_2 : i1 to i32
    %cond3A_4 = arith.constant 0 : i32
    %cond3A_5 = arith.cmpi ne, %convert_element_type3A_3, %cond3A_4 : i32
    scf.if %cond3A_5 {
      %broadcast_in_dim3A = arith.constant 0.000000e+00 : f32
      %broadcast_in_dim3A_6 = vector.broadcast %broadcast_in_dim3A : f32 to vector<640x768xf32>
      %swap3A = arith.constant 0 : index
      %swap3A_7 = arith.constant 0 : index
      %swap3A_8 = vector.load %arg4[%swap3A, %swap3A_7] : memref<640x768xf32, #tpu.memory_space<vmem>>, vector<640x768xf32>
      tpu.vector_store %arg4[%swap3A, %swap3A_7], %broadcast_in_dim3A_6 {strides = array<i32>} : memref<640x768xf32, #tpu.memory_space<vmem>>, vector<640x768xf32>,
    } else {
    }
    return
  }
  func.func @transform_0(%arg0: i32) -> (i32, i32) {
    %min3A = arith.constant 15 : i32
    %min3A_0 = arith.minsi %arg0, %min3A : i32
    %c0_i32 = arith.constant 0 : i32
    %c0_i32_1 = arith.constant 0 : i32
    return %min3A_0, %c0_i32 : i32, i32
  }
  func.func @transform_1(%arg0: i32) -> (i32, i32, i32) {
    %min3A = arith.constant 15 : i32
    %min3A_0 = arith.minsi %arg0, %min3A : i32
    %c0_i32 = arith.constant 0 : i32
    %c0_i32_1 = arith.constant 0 : i32
    %c0_i32_2 = arith.constant 0 : i32
    return %min3A_0, %c0_i32, %c0_i32_1 : i32, i32, i32
  }
  func.func @transform_2(%arg0: i32) -> (i32, i32, i32) {
    %min3A = arith.constant 15 : i32
    %min3A_0 = arith.minsi %arg0, %min3A : i32
    %c1_i32 = arith.constant 1 : i32
    %c0_i32 = arith.constant 0 : i32
    %c0_i32_1 = arith.constant 0 : i32
    return %min3A_0, %c1_i32, %c0_i32 : i32, i32, i32
  }
  func.func @transform_3(%arg0: i32) -> (i32, i32) {
    %c0_i32 = arith.constant 0 : i32
    %c0_i32_0 = arith.constant 0 : i32
    return %arg0, %c0_i32 : i32, i32
  }
}

module attributes {stable_mosaic.version = 14 : i64} {
  func.func @_routing_kernel(%arg0: i32, %arg1: memref<1024x768xf32, #tpu.memory_space<vmem>>, %arg2: memref<64x768xf32, #tpu.memory_space<vmem>>, %arg3: memref<1x8x128xi32, #tpu.memory_space<vmem>>, %arg4: memref<1024x384xi32, #tpu.memory_space<vmem>>, %arg5: memref<64x1xf32, #tpu.memory_space<vmem>>) attributes {dimension_semantics = [#tpu.dimension_semantics<arbitrary>], iteration_bounds = array<i64: 8>, scalar_prefetch = 0 : i64, scratch_operands = 1 : i64, tpu.core_type = #tpu.core_type<tc>, window_params = [{transform_indices = @transform_0, window_bounds = array<i64: 1024, 768>}, {pipeline_mode = #tpu.pipeline_mode<synchronous>, transform_indices = @transform_1, window_bounds = array<i64: 64, 768>}, {transform_indices = @transform_2, window_bounds = array<i64: 1, 8, 128>}, {transform_indices = @transform_3, window_bounds = array<i64: 1024, 384>}]} {
    %eq3A = arith.constant 0 : i32
    %eq3A_0 = arith.cmpi eq, %arg0, %eq3A : i32
    %convert_element_type3A = arith.extui %eq3A_0 : i1 to i32
    %cond3A = arith.constant 0 : i32
    %cond3A_1 = arith.cmpi ne, %convert_element_type3A, %cond3A : i32
    scf.if %cond3A_1 {
      %broadcast_in_dim3A_287 = arith.constant 0.000000e+00 : f32
      %broadcast_in_dim3A_288 = vector.broadcast %broadcast_in_dim3A_287 : f32 to vector<64x1xf32>
      %swap3A_289 = arith.constant 0 : index
      %swap3A_290 = arith.constant 0 : index
      %swap3A_291 = vector.load %arg5[%swap3A_289, %swap3A_290] : memref<64x1xf32, #tpu.memory_space<vmem>>, vector<64x1xf32>
      tpu.vector_store %arg5[%swap3A_289, %swap3A_290], %broadcast_in_dim3A_288 {strides = array<i32>} : memref<64x1xf32, #tpu.memory_space<vmem>>, vector<64x1xf32>,
    } else {
    }
    %get3A = arith.constant 0 : index
    %get3A_2 = arith.constant 0 : index
    %get3A_3 = vector.load %arg1[%get3A, %get3A_2] : memref<1024x768xf32, #tpu.memory_space<vmem>>, vector<1024x768xf32>
    %bitcast_convert_type3A = tpu.bitcast %get3A_3 : vector<1024x768xf32> -> vector<1024x768xi32>
    %slice3A = vector.extract_strided_slice %bitcast_convert_type3A {offsets = [0, 0], sizes = [1024, 384], strides = [1, 1]} : vector<1024x768xi32> to vector<1024x384xi32>
    %add3A = arith.constant 32767 : i32
    %add3A_4 = vector.broadcast %add3A : i32 to vector<1024x384xi32>
    %add3A_5 = arith.addi %slice3A, %add3A_4 : vector<1024x384xi32>
    %shift_right_arithmetic3A = arith.constant 16 : i32
    %shift_right_arithmetic3A_6 = vector.broadcast %shift_right_arithmetic3A : i32 to vector<1024x384xi32>
    %shift_right_arithmetic3A_7 = arith.shrsi %slice3A, %shift_right_arithmetic3A_6 : vector<1024x384xi32>
    %and3A = arith.constant 1 : i32
    %and3A_8 = vector.broadcast %and3A : i32 to vector<1024x384xi32>
    %and3A_9 = arith.andi %shift_right_arithmetic3A_7, %and3A_8 : vector<1024x384xi32>
    %add3A_10 = arith.addi %add3A_5, %and3A_9 : vector<1024x384xi32>
    %shift_right_arithmetic3A_11 = arith.constant 16 : i32
    %shift_right_arithmetic3A_12 = vector.broadcast %shift_right_arithmetic3A_11 : i32 to vector<1024x384xi32>
    %shift_right_arithmetic3A_13 = arith.shrsi %add3A_10, %shift_right_arithmetic3A_12 : vector<1024x384xi32>
    %and3A_14 = arith.constant 65535 : i32
    %and3A_15 = vector.broadcast %and3A_14 : i32 to vector<1024x384xi32>
    %and3A_16 = arith.andi %shift_right_arithmetic3A_13, %and3A_15 : vector<1024x384xi32>
    %slice3A_17 = vector.extract_strided_slice %bitcast_convert_type3A {offsets = [0, 384], sizes = [1024, 384], strides = [1, 1]} : vector<1024x768xi32> to vector<1024x384xi32>
    %add3A_18 = arith.constant 32767 : i32
    %add3A_19 = vector.broadcast %add3A_18 : i32 to vector<1024x384xi32>
    %add3A_20 = arith.addi %slice3A_17, %add3A_19 : vector<1024x384xi32>
    %shift_right_arithmetic3A_21 = arith.constant 16 : i32
    %shift_right_arithmetic3A_22 = vector.broadcast %shift_right_arithmetic3A_21 : i32 to vector<1024x384xi32>
    %shift_right_arithmetic3A_23 = arith.shrsi %slice3A_17, %shift_right_arithmetic3A_22 : vector<1024x384xi32>
    %and3A_24 = arith.constant 1 : i32
    %and3A_25 = vector.broadcast %and3A_24 : i32 to vector<1024x384xi32>
    %and3A_26 = arith.andi %shift_right_arithmetic3A_23, %and3A_25 : vector<1024x384xi32>
    %add3A_27 = arith.addi %add3A_20, %and3A_26 : vector<1024x384xi32>
    %shift_right_arithmetic3A_28 = arith.constant 16 : i32
    %shift_right_arithmetic3A_29 = vector.broadcast %shift_right_arithmetic3A_28 : i32 to vector<1024x384xi32>
    %shift_right_arithmetic3A_30 = arith.shrsi %add3A_27, %shift_right_arithmetic3A_29 : vector<1024x384xi32>
    %and3A_31 = arith.constant 65535 : i32
    %and3A_32 = vector.broadcast %and3A_31 : i32 to vector<1024x384xi32>
    %and3A_33 = arith.andi %shift_right_arithmetic3A_30, %and3A_32 : vector<1024x384xi32>
    %shift_left3A = arith.constant 16 : i32
    %shift_left3A_34 = vector.broadcast %shift_left3A : i32 to vector<1024x384xi32>
    %shift_left3A_35 = arith.shli %and3A_33, %shift_left3A_34 : vector<1024x384xi32>
    %or3A = arith.ori %and3A_16, %shift_left3A_35 : vector<1024x384xi32>
    %swap3A = arith.constant 0 : index
    %swap3A_36 = arith.constant 0 : index
    %swap3A_37 = vector.load %arg4[%swap3A, %swap3A_36] : memref<1024x384xi32, #tpu.memory_space<vmem>>, vector<1024x384xi32>
    tpu.vector_store %arg4[%swap3A, %swap3A_36], %or3A {strides = array<i32>} : memref<1024x384xi32, #tpu.memory_space<vmem>>, vector<1024x384xi32>,
    %get3A_38 = arith.constant 0 : index
    %get3A_39 = arith.constant 0 : index
    %get3A_40 = vector.load %arg5[%get3A_38, %get3A_39] : memref<64x1xf32, #tpu.memory_space<vmem>>, vector<64x1xf32>
    %iota3A = tpu.iota {dimensions = array<i32: 0>} : vector<256x256xi32>
    %iota3A_41 = tpu.iota {dimensions = array<i32: 1>} : vector<256x256xi32>
    %lt3A = arith.cmpi slt, %iota3A, %iota3A_41 : vector<256x256xi32>
    %convert_element_type3A_42 = arith.extui %lt3A : vector<256x256xi1> to vector<256x256xi32>
    %convert_element_type3A_43 = arith.sitofp %convert_element_type3A_42 : vector<256x256xi32> to vector<256x256xf32>
    %convert_element_type3A_44 = arith.truncf %convert_element_type3A_43 : vector<256x256xf32> to vector<256x256xbf16>
    %get3A_45 = arith.constant 0 : index
    %get3A_46 = arith.constant 0 : index
    %get3A_47 = vector.load %arg1[%get3A_45, %get3A_46] : memref<1024x768xf32, #tpu.memory_space<vmem>>, vector<256x768xf32>
    %get3A_48 = arith.constant 0 : index
    %get3A_49 = arith.constant 0 : index
    %get3A_50 = vector.load %arg2[%get3A_48, %get3A_49] : memref<64x768xf32, #tpu.memory_space<vmem>>, vector<64x768xf32>
    %dot_general3A = arith.constant dense<0.000000e+00> : vector<64x256xf32>
    %dot_general3A_51 = tpu.matmul %get3A_50, %get3A_47, %dot_general3A {dimension_numbers = #tpu.dot_dimension_numbers<[1], [1], [0], [0], [0, 0, 1, 0], [], []>, transpose_lhs_hint = false} : vector<64x768xf32>, vector<256x768xf32>, vector<64x256xf32> -> vector<64x256xf32>
    %reduce_max3A = arith.constant dense<0xFF800000> : vector<256xf32>
    %reduce_max3A_52 = vector.multi_reduction <maximumf>, %dot_general3A_51, %reduce_max3A [0] : vector<64x256xf32> to vector<256xf32>
    %broadcast_in_dim3A = vector.shape_cast %reduce_max3A_52 : vector<256xf32> to vector<1x256xf32>
    %iota3A_53 = tpu.iota {dimensions = array<i32: 0>} : vector<64x256xi32>
    %eq3A_54 = vector.broadcast %broadcast_in_dim3A : vector<1x256xf32> to vector<64x256xf32>
    %eq3A_55 = arith.cmpf oeq, %dot_general3A_51, %eq3A_54 : vector<64x256xf32>
    %jit3A = arith.constant 64 : i32
    %broadcast_in_dim3A_56 = vector.broadcast %jit3A : i32 to vector<64x256xi32>
    %select_n3A = arith.select %eq3A_55, %iota3A_53, %broadcast_in_dim3A_56 : vector<64x256xi1>, vector<64x256xi32>
    %reduce_min3A = arith.constant dense<2147483647> : vector<256xi32>
    %reduce_min3A_57 = vector.multi_reduction <minsi>, %select_n3A, %reduce_min3A [0] : vector<64x256xi32> to vector<256xi32>
    %broadcast_in_dim3A_58 = vector.shape_cast %reduce_min3A_57 : vector<256xi32> to vector<1x256xi32>
    %eq3A_59 = vector.broadcast %broadcast_in_dim3A_58 : vector<1x256xi32> to vector<64x256xi32>
    %eq3A_60 = arith.cmpi eq, %iota3A_53, %eq3A_59 : vector<64x256xi32>
    %convert_element_type3A_61 = arith.extui %eq3A_60 : vector<64x256xi1> to vector<64x256xi32>
    %convert_element_type3A_62 = arith.sitofp %convert_element_type3A_61 : vector<64x256xi32> to vector<64x256xf32>
    %convert_element_type3A_63 = arith.truncf %convert_element_type3A_62 : vector<64x256xf32> to vector<64x256xbf16>
    %dot_general3A_64 = arith.constant dense<0.000000e+00> : vector<64x256xf32>
    %dot_general3A_65 = tpu.matmul %convert_element_type3A_63, %convert_element_type3A_44, %dot_general3A_64 {dimension_numbers = #tpu.dot_dimension_numbers<[1], [0], [0], [1], [0, 0, 1, 1], [], []>, transpose_lhs_hint = false} : vector<64x256xbf16>, vector<256x256xbf16>, vector<64x256xf32> -> vector<64x256xf32>
    %convert_element_type3A_66 = arith.extui %eq3A_60 : vector<64x256xi1> to vector<64x256xi32>
    %convert_element_type3A_67 = arith.sitofp %convert_element_type3A_66 : vector<64x256xi32> to vector<64x256xf32>
    %mul3A = arith.mulf %dot_general3A_65, %convert_element_type3A_67 : vector<64x256xf32>
    %reduce_sum3A = arith.constant dense<0.000000e+00> : vector<256xf32>
    %reduce_sum3A_68 = vector.multi_reduction <add>, %mul3A, %reduce_sum3A [0] : vector<64x256xf32> to vector<256xf32>
    %broadcast_in_dim3A_69 = vector.shape_cast %reduce_sum3A_68 : vector<256xf32> to vector<1x256xf32>
    %mul3A_70 = vector.broadcast %get3A_40 : vector<64x1xf32> to vector<64x256xf32>
    %mul3A_71 = arith.mulf %mul3A_70, %convert_element_type3A_67 : vector<64x256xf32>
    %reduce_sum3A_72 = arith.constant dense<0.000000e+00> : vector<256xf32>
    %reduce_sum3A_73 = vector.multi_reduction <add>, %mul3A_71, %reduce_sum3A_72 [0] : vector<64x256xf32> to vector<256xf32>
    %broadcast_in_dim3A_74 = vector.shape_cast %reduce_sum3A_73 : vector<256xf32> to vector<1x256xf32>
    %add3A_75 = arith.addf %broadcast_in_dim3A_74, %broadcast_in_dim3A_69 : vector<1x256xf32>
    %convert_element_type3A_76 = arith.sitofp %broadcast_in_dim3A_58 : vector<1x256xi32> to vector<1x256xf32>
    %lt3A_77 = arith.constant 1.600000e+02 : f32
    %lt3A_78 = vector.broadcast %lt3A_77 : f32 to vector<1x256xf32>
    %lt3A_79 = arith.cmpf olt, %add3A_75, %lt3A_78 : vector<1x256xf32>
    %mul3A_80 = arith.constant 1.600000e+02 : f32
    %mul3A_81 = vector.broadcast %mul3A_80 : f32 to vector<1x256xf32>
    %mul3A_82 = arith.mulf %convert_element_type3A_76, %mul3A_81 : vector<1x256xf32>
    %add3A_83 = arith.addf %mul3A_82, %add3A_75 : vector<1x256xf32>
    %jit3A_84 = arith.constant 1.024000e+04 : f32
    %broadcast_in_dim3A_85 = vector.broadcast %jit3A_84 : f32 to vector<1x256xf32>
    %select_n3A_86 = arith.select %lt3A_79, %add3A_83, %broadcast_in_dim3A_85 : vector<1x256xi1>, vector<1x256xf32>
    %convert_element_type3A_87 = arith.fptosi %select_n3A_86 : vector<1x256xf32> to vector<1x256xi32>
    %reshape3A = vector.shape_cast %convert_element_type3A_87 : vector<1x256xi32> to vector<2x128xi32>
    %swap3A_88 = arith.constant 0 : index
    %swap3A_89 = arith.constant 0 : index
    %swap3A_90 = arith.constant 0 : index
    %swap3A_91 = vector.load %arg3[%swap3A_88, %swap3A_89, %swap3A_90] : memref<1x8x128xi32, #tpu.memory_space<vmem>>, vector<1x2x128xi32>
    %swap3A_92 = vector.shape_cast %swap3A_91 : vector<1x2x128xi32> to vector<2x128xi32>
    %swap3A_93 = vector.shape_cast %reshape3A : vector<2x128xi32> to vector<1x2x128xi32>
    tpu.vector_store %arg3[%swap3A_88, %swap3A_89, %swap3A_90], %swap3A_93 {strides = array<i32>} : memref<1x8x128xi32, #tpu.memory_space<vmem>>, vector<1x2x128xi32>,
    %reduce_sum3A_94 = arith.constant dense<0.000000e+00> : vector<64xf32>
    %reduce_sum3A_95 = vector.multi_reduction <add>, %convert_element_type3A_67, %reduce_sum3A_94 [1] : vector<64x256xf32> to vector<64xf32>
    %broadcast_in_dim3A_96 = vector.shape_cast %reduce_sum3A_95 : vector<64xf32> to vector<64x1xf32>
    %add3A_97 = arith.addf %get3A_40, %broadcast_in_dim3A_96 : vector<64x1xf32>
    %get3A_98 = arith.constant 256 : index
    %get3A_99 = arith.constant 0 : index
    %get3A_100 = vector.load %arg1[%get3A_98, %get3A_99] : memref<1024x768xf32, #tpu.memory_space<vmem>>, vector<256x768xf32>
    %get3A_101 = arith.constant 0 : index
    %get3A_102 = arith.constant 0 : index
    %get3A_103 = vector.load %arg2[%get3A_101, %get3A_102] : memref<64x768xf32, #tpu.memory_space<vmem>>, vector<64x768xf32>
    %dot_general3A_104 = arith.constant dense<0.000000e+00> : vector<64x256xf32>
    %dot_general3A_105 = tpu.matmul %get3A_103, %get3A_100, %dot_general3A_104 {dimension_numbers = #tpu.dot_dimension_numbers<[1], [1], [0], [0], [0, 0, 1, 0], [], []>, transpose_lhs_hint = false} : vector<64x768xf32>, vector<256x768xf32>, vector<64x256xf32> -> vector<64x256xf32>
    %reduce_max3A_106 = arith.constant dense<0xFF800000> : vector<256xf32>
    %reduce_max3A_107 = vector.multi_reduction <maximumf>, %dot_general3A_105, %reduce_max3A_106 [0] : vector<64x256xf32> to vector<256xf32>
    %broadcast_in_dim3A_108 = vector.shape_cast %reduce_max3A_107 : vector<256xf32> to vector<1x256xf32>
    %iota3A_109 = tpu.iota {dimensions = array<i32: 0>} : vector<64x256xi32>
    %eq3A_110 = vector.broadcast %broadcast_in_dim3A_108 : vector<1x256xf32> to vector<64x256xf32>
    %eq3A_111 = arith.cmpf oeq, %dot_general3A_105, %eq3A_110 : vector<64x256xf32>
    %jit3A_112 = arith.constant 64 : i32
    %broadcast_in_dim3A_113 = vector.broadcast %jit3A_112 : i32 to vector<64x256xi32>
    %select_n3A_114 = arith.select %eq3A_111, %iota3A_109, %broadcast_in_dim3A_113 : vector<64x256xi1>, vector<64x256xi32>
    %reduce_min3A_115 = arith.constant dense<2147483647> : vector<256xi32>
    %reduce_min3A_116 = vector.multi_reduction <minsi>, %select_n3A_114, %reduce_min3A_115 [0] : vector<64x256xi32> to vector<256xi32>
    %broadcast_in_dim3A_117 = vector.shape_cast %reduce_min3A_116 : vector<256xi32> to vector<1x256xi32>
    %eq3A_118 = vector.broadcast %broadcast_in_dim3A_117 : vector<1x256xi32> to vector<64x256xi32>
    %eq3A_119 = arith.cmpi eq, %iota3A_109, %eq3A_118 : vector<64x256xi32>
    %convert_element_type3A_120 = arith.extui %eq3A_119 : vector<64x256xi1> to vector<64x256xi32>
    %convert_element_type3A_121 = arith.sitofp %convert_element_type3A_120 : vector<64x256xi32> to vector<64x256xf32>
    %convert_element_type3A_122 = arith.truncf %convert_element_type3A_121 : vector<64x256xf32> to vector<64x256xbf16>
    %dot_general3A_123 = arith.constant dense<0.000000e+00> : vector<64x256xf32>
    %dot_general3A_124 = tpu.matmul %convert_element_type3A_122, %convert_element_type3A_44, %dot_general3A_123 {dimension_numbers = #tpu.dot_dimension_numbers<[1], [0], [0], [1], [0, 0, 1, 1], [], []>, transpose_lhs_hint = false} : vector<64x256xbf16>, vector<256x256xbf16>, vector<64x256xf32> -> vector<64x256xf32>
    %convert_element_type3A_125 = arith.extui %eq3A_119 : vector<64x256xi1> to vector<64x256xi32>
    %convert_element_type3A_126 = arith.sitofp %convert_element_type3A_125 : vector<64x256xi32> to vector<64x256xf32>
    %mul3A_127 = arith.mulf %dot_general3A_124, %convert_element_type3A_126 : vector<64x256xf32>
    %reduce_sum3A_128 = arith.constant dense<0.000000e+00> : vector<256xf32>
    %reduce_sum3A_129 = vector.multi_reduction <add>, %mul3A_127, %reduce_sum3A_128 [0] : vector<64x256xf32> to vector<256xf32>
    %broadcast_in_dim3A_130 = vector.shape_cast %reduce_sum3A_129 : vector<256xf32> to vector<1x256xf32>
    %mul3A_131 = vector.broadcast %add3A_97 : vector<64x1xf32> to vector<64x256xf32>
    %mul3A_132 = arith.mulf %mul3A_131, %convert_element_type3A_126 : vector<64x256xf32>
    %reduce_sum3A_133 = arith.constant dense<0.000000e+00> : vector<256xf32>
    %reduce_sum3A_134 = vector.multi_reduction <add>, %mul3A_132, %reduce_sum3A_133 [0] : vector<64x256xf32> to vector<256xf32>
    %broadcast_in_dim3A_135 = vector.shape_cast %reduce_sum3A_134 : vector<256xf32> to vector<1x256xf32>
    %add3A_136 = arith.addf %broadcast_in_dim3A_135, %broadcast_in_dim3A_130 : vector<1x256xf32>
    %convert_element_type3A_137 = arith.sitofp %broadcast_in_dim3A_117 : vector<1x256xi32> to vector<1x256xf32>
    %lt3A_138 = arith.constant 1.600000e+02 : f32
    %lt3A_139 = vector.broadcast %lt3A_138 : f32 to vector<1x256xf32>
    %lt3A_140 = arith.cmpf olt, %add3A_136, %lt3A_139 : vector<1x256xf32>
    %mul3A_141 = arith.constant 1.600000e+02 : f32
    %mul3A_142 = vector.broadcast %mul3A_141 : f32 to vector<1x256xf32>
    %mul3A_143 = arith.mulf %convert_element_type3A_137, %mul3A_142 : vector<1x256xf32>
    %add3A_144 = arith.addf %mul3A_143, %add3A_136 : vector<1x256xf32>
    %jit3A_145 = arith.constant 1.024000e+04 : f32
    %broadcast_in_dim3A_146 = vector.broadcast %jit3A_145 : f32 to vector<1x256xf32>
    %select_n3A_147 = arith.select %lt3A_140, %add3A_144, %broadcast_in_dim3A_146 : vector<1x256xi1>, vector<1x256xf32>
    %convert_element_type3A_148 = arith.fptosi %select_n3A_147 : vector<1x256xf32> to vector<1x256xi32>
    %reshape3A_149 = vector.shape_cast %convert_element_type3A_148 : vector<1x256xi32> to vector<2x128xi32>
    %swap3A_150 = arith.constant 0 : index
    %swap3A_151 = arith.constant 2 : index
    %swap3A_152 = arith.constant 0 : index
    %swap3A_153 = vector.load %arg3[%swap3A_150, %swap3A_151, %swap3A_152] : memref<1x8x128xi32, #tpu.memory_space<vmem>>, vector<1x2x128xi32>
    %swap3A_154 = vector.shape_cast %swap3A_153 : vector<1x2x128xi32> to vector<2x128xi32>
    %swap3A_155 = vector.shape_cast %reshape3A_149 : vector<2x128xi32> to vector<1x2x128xi32>
    tpu.vector_store %arg3[%swap3A_150, %swap3A_151, %swap3A_152], %swap3A_155 {strides = array<i32>} : memref<1x8x128xi32, #tpu.memory_space<vmem>>, vector<1x2x128xi32>,
    %reduce_sum3A_156 = arith.constant dense<0.000000e+00> : vector<64xf32>
    %reduce_sum3A_157 = vector.multi_reduction <add>, %convert_element_type3A_126, %reduce_sum3A_156 [1] : vector<64x256xf32> to vector<64xf32>
    %broadcast_in_dim3A_158 = vector.shape_cast %reduce_sum3A_157 : vector<64xf32> to vector<64x1xf32>
    %add3A_159 = arith.addf %add3A_97, %broadcast_in_dim3A_158 : vector<64x1xf32>
    %get3A_160 = arith.constant 512 : index
    %get3A_161 = arith.constant 0 : index
    %get3A_162 = vector.load %arg1[%get3A_160, %get3A_161] : memref<1024x768xf32, #tpu.memory_space<vmem>>, vector<256x768xf32>
    %get3A_163 = arith.constant 0 : index
    %get3A_164 = arith.constant 0 : index
    %get3A_165 = vector.load %arg2[%get3A_163, %get3A_164] : memref<64x768xf32, #tpu.memory_space<vmem>>, vector<64x768xf32>
    %dot_general3A_166 = arith.constant dense<0.000000e+00> : vector<64x256xf32>
    %dot_general3A_167 = tpu.matmul %get3A_165, %get3A_162, %dot_general3A_166 {dimension_numbers = #tpu.dot_dimension_numbers<[1], [1], [0], [0], [0, 0, 1, 0], [], []>, transpose_lhs_hint = false} : vector<64x768xf32>, vector<256x768xf32>, vector<64x256xf32> -> vector<64x256xf32>
    %reduce_max3A_168 = arith.constant dense<0xFF800000> : vector<256xf32>
    %reduce_max3A_169 = vector.multi_reduction <maximumf>, %dot_general3A_167, %reduce_max3A_168 [0] : vector<64x256xf32> to vector<256xf32>
    %broadcast_in_dim3A_170 = vector.shape_cast %reduce_max3A_169 : vector<256xf32> to vector<1x256xf32>
    %iota3A_171 = tpu.iota {dimensions = array<i32: 0>} : vector<64x256xi32>
    %eq3A_172 = vector.broadcast %broadcast_in_dim3A_170 : vector<1x256xf32> to vector<64x256xf32>
    %eq3A_173 = arith.cmpf oeq, %dot_general3A_167, %eq3A_172 : vector<64x256xf32>
    %jit3A_174 = arith.constant 64 : i32
    %broadcast_in_dim3A_175 = vector.broadcast %jit3A_174 : i32 to vector<64x256xi32>
    %select_n3A_176 = arith.select %eq3A_173, %iota3A_171, %broadcast_in_dim3A_175 : vector<64x256xi1>, vector<64x256xi32>
    %reduce_min3A_177 = arith.constant dense<2147483647> : vector<256xi32>
    %reduce_min3A_178 = vector.multi_reduction <minsi>, %select_n3A_176, %reduce_min3A_177 [0] : vector<64x256xi32> to vector<256xi32>
    %broadcast_in_dim3A_179 = vector.shape_cast %reduce_min3A_178 : vector<256xi32> to vector<1x256xi32>
    %eq3A_180 = vector.broadcast %broadcast_in_dim3A_179 : vector<1x256xi32> to vector<64x256xi32>
    %eq3A_181 = arith.cmpi eq, %iota3A_171, %eq3A_180 : vector<64x256xi32>
    %convert_element_type3A_182 = arith.extui %eq3A_181 : vector<64x256xi1> to vector<64x256xi32>
    %convert_element_type3A_183 = arith.sitofp %convert_element_type3A_182 : vector<64x256xi32> to vector<64x256xf32>
    %convert_element_type3A_184 = arith.truncf %convert_element_type3A_183 : vector<64x256xf32> to vector<64x256xbf16>
    %dot_general3A_185 = arith.constant dense<0.000000e+00> : vector<64x256xf32>
    %dot_general3A_186 = tpu.matmul %convert_element_type3A_184, %convert_element_type3A_44, %dot_general3A_185 {dimension_numbers = #tpu.dot_dimension_numbers<[1], [0], [0], [1], [0, 0, 1, 1], [], []>, transpose_lhs_hint = false} : vector<64x256xbf16>, vector<256x256xbf16>, vector<64x256xf32> -> vector<64x256xf32>
    %convert_element_type3A_187 = arith.extui %eq3A_181 : vector<64x256xi1> to vector<64x256xi32>
    %convert_element_type3A_188 = arith.sitofp %convert_element_type3A_187 : vector<64x256xi32> to vector<64x256xf32>
    %mul3A_189 = arith.mulf %dot_general3A_186, %convert_element_type3A_188 : vector<64x256xf32>
    %reduce_sum3A_190 = arith.constant dense<0.000000e+00> : vector<256xf32>
    %reduce_sum3A_191 = vector.multi_reduction <add>, %mul3A_189, %reduce_sum3A_190 [0] : vector<64x256xf32> to vector<256xf32>
    %broadcast_in_dim3A_192 = vector.shape_cast %reduce_sum3A_191 : vector<256xf32> to vector<1x256xf32>
    %mul3A_193 = vector.broadcast %add3A_159 : vector<64x1xf32> to vector<64x256xf32>
    %mul3A_194 = arith.mulf %mul3A_193, %convert_element_type3A_188 : vector<64x256xf32>
    %reduce_sum3A_195 = arith.constant dense<0.000000e+00> : vector<256xf32>
    %reduce_sum3A_196 = vector.multi_reduction <add>, %mul3A_194, %reduce_sum3A_195 [0] : vector<64x256xf32> to vector<256xf32>
    %broadcast_in_dim3A_197 = vector.shape_cast %reduce_sum3A_196 : vector<256xf32> to vector<1x256xf32>
    %add3A_198 = arith.addf %broadcast_in_dim3A_197, %broadcast_in_dim3A_192 : vector<1x256xf32>
    %convert_element_type3A_199 = arith.sitofp %broadcast_in_dim3A_179 : vector<1x256xi32> to vector<1x256xf32>
    %lt3A_200 = arith.constant 1.600000e+02 : f32
    %lt3A_201 = vector.broadcast %lt3A_200 : f32 to vector<1x256xf32>
    %lt3A_202 = arith.cmpf olt, %add3A_198, %lt3A_201 : vector<1x256xf32>
    %mul3A_203 = arith.constant 1.600000e+02 : f32
    %mul3A_204 = vector.broadcast %mul3A_203 : f32 to vector<1x256xf32>
    %mul3A_205 = arith.mulf %convert_element_type3A_199, %mul3A_204 : vector<1x256xf32>
    %add3A_206 = arith.addf %mul3A_205, %add3A_198 : vector<1x256xf32>
    %jit3A_207 = arith.constant 1.024000e+04 : f32
    %broadcast_in_dim3A_208 = vector.broadcast %jit3A_207 : f32 to vector<1x256xf32>
    %select_n3A_209 = arith.select %lt3A_202, %add3A_206, %broadcast_in_dim3A_208 : vector<1x256xi1>, vector<1x256xf32>
    %convert_element_type3A_210 = arith.fptosi %select_n3A_209 : vector<1x256xf32> to vector<1x256xi32>
    %reshape3A_211 = vector.shape_cast %convert_element_type3A_210 : vector<1x256xi32> to vector<2x128xi32>
    %swap3A_212 = arith.constant 0 : index
    %swap3A_213 = arith.constant 4 : index
    %swap3A_214 = arith.constant 0 : index
    %swap3A_215 = vector.load %arg3[%swap3A_212, %swap3A_213, %swap3A_214] : memref<1x8x128xi32, #tpu.memory_space<vmem>>, vector<1x2x128xi32>
    %swap3A_216 = vector.shape_cast %swap3A_215 : vector<1x2x128xi32> to vector<2x128xi32>
    %swap3A_217 = vector.shape_cast %reshape3A_211 : vector<2x128xi32> to vector<1x2x128xi32>
    tpu.vector_store %arg3[%swap3A_212, %swap3A_213, %swap3A_214], %swap3A_217 {strides = array<i32>} : memref<1x8x128xi32, #tpu.memory_space<vmem>>, vector<1x2x128xi32>,
    %reduce_sum3A_218 = arith.constant dense<0.000000e+00> : vector<64xf32>
    %reduce_sum3A_219 = vector.multi_reduction <add>, %convert_element_type3A_188, %reduce_sum3A_218 [1] : vector<64x256xf32> to vector<64xf32>
    %broadcast_in_dim3A_220 = vector.shape_cast %reduce_sum3A_219 : vector<64xf32> to vector<64x1xf32>
    %add3A_221 = arith.addf %add3A_159, %broadcast_in_dim3A_220 : vector<64x1xf32>
    %get3A_222 = arith.constant 768 : index
    %get3A_223 = arith.constant 0 : index
    %get3A_224 = vector.load %arg1[%get3A_222, %get3A_223] : memref<1024x768xf32, #tpu.memory_space<vmem>>, vector<256x768xf32>
    %get3A_225 = arith.constant 0 : index
    %get3A_226 = arith.constant 0 : index
    %get3A_227 = vector.load %arg2[%get3A_225, %get3A_226] : memref<64x768xf32, #tpu.memory_space<vmem>>, vector<64x768xf32>
    %dot_general3A_228 = arith.constant dense<0.000000e+00> : vector<64x256xf32>
    %dot_general3A_229 = tpu.matmul %get3A_227, %get3A_224, %dot_general3A_228 {dimension_numbers = #tpu.dot_dimension_numbers<[1], [1], [0], [0], [0, 0, 1, 0], [], []>, transpose_lhs_hint = false} : vector<64x768xf32>, vector<256x768xf32>, vector<64x256xf32> -> vector<64x256xf32>
    %reduce_max3A_230 = arith.constant dense<0xFF800000> : vector<256xf32>
    %reduce_max3A_231 = vector.multi_reduction <maximumf>, %dot_general3A_229, %reduce_max3A_230 [0] : vector<64x256xf32> to vector<256xf32>
    %broadcast_in_dim3A_232 = vector.shape_cast %reduce_max3A_231 : vector<256xf32> to vector<1x256xf32>
    %iota3A_233 = tpu.iota {dimensions = array<i32: 0>} : vector<64x256xi32>
    %eq3A_234 = vector.broadcast %broadcast_in_dim3A_232 : vector<1x256xf32> to vector<64x256xf32>
    %eq3A_235 = arith.cmpf oeq, %dot_general3A_229, %eq3A_234 : vector<64x256xf32>
    %jit3A_236 = arith.constant 64 : i32
    %broadcast_in_dim3A_237 = vector.broadcast %jit3A_236 : i32 to vector<64x256xi32>
    %select_n3A_238 = arith.select %eq3A_235, %iota3A_233, %broadcast_in_dim3A_237 : vector<64x256xi1>, vector<64x256xi32>
    %reduce_min3A_239 = arith.constant dense<2147483647> : vector<256xi32>
    %reduce_min3A_240 = vector.multi_reduction <minsi>, %select_n3A_238, %reduce_min3A_239 [0] : vector<64x256xi32> to vector<256xi32>
    %broadcast_in_dim3A_241 = vector.shape_cast %reduce_min3A_240 : vector<256xi32> to vector<1x256xi32>
    %eq3A_242 = vector.broadcast %broadcast_in_dim3A_241 : vector<1x256xi32> to vector<64x256xi32>
    %eq3A_243 = arith.cmpi eq, %iota3A_233, %eq3A_242 : vector<64x256xi32>
    %convert_element_type3A_244 = arith.extui %eq3A_243 : vector<64x256xi1> to vector<64x256xi32>
    %convert_element_type3A_245 = arith.sitofp %convert_element_type3A_244 : vector<64x256xi32> to vector<64x256xf32>
    %convert_element_type3A_246 = arith.truncf %convert_element_type3A_245 : vector<64x256xf32> to vector<64x256xbf16>
    %dot_general3A_247 = arith.constant dense<0.000000e+00> : vector<64x256xf32>
    %dot_general3A_248 = tpu.matmul %convert_element_type3A_246, %convert_element_type3A_44, %dot_general3A_247 {dimension_numbers = #tpu.dot_dimension_numbers<[1], [0], [0], [1], [0, 0, 1, 1], [], []>, transpose_lhs_hint = false} : vector<64x256xbf16>, vector<256x256xbf16>, vector<64x256xf32> -> vector<64x256xf32>
    %convert_element_type3A_249 = arith.extui %eq3A_243 : vector<64x256xi1> to vector<64x256xi32>
    %convert_element_type3A_250 = arith.sitofp %convert_element_type3A_249 : vector<64x256xi32> to vector<64x256xf32>
    %mul3A_251 = arith.mulf %dot_general3A_248, %convert_element_type3A_250 : vector<64x256xf32>
    %reduce_sum3A_252 = arith.constant dense<0.000000e+00> : vector<256xf32>
    %reduce_sum3A_253 = vector.multi_reduction <add>, %mul3A_251, %reduce_sum3A_252 [0] : vector<64x256xf32> to vector<256xf32>
    %broadcast_in_dim3A_254 = vector.shape_cast %reduce_sum3A_253 : vector<256xf32> to vector<1x256xf32>
    %mul3A_255 = vector.broadcast %add3A_221 : vector<64x1xf32> to vector<64x256xf32>
    %mul3A_256 = arith.mulf %mul3A_255, %convert_element_type3A_250 : vector<64x256xf32>
    %reduce_sum3A_257 = arith.constant dense<0.000000e+00> : vector<256xf32>
    %reduce_sum3A_258 = vector.multi_reduction <add>, %mul3A_256, %reduce_sum3A_257 [0] : vector<64x256xf32> to vector<256xf32>
    %broadcast_in_dim3A_259 = vector.shape_cast %reduce_sum3A_258 : vector<256xf32> to vector<1x256xf32>
    %add3A_260 = arith.addf %broadcast_in_dim3A_259, %broadcast_in_dim3A_254 : vector<1x256xf32>
    %convert_element_type3A_261 = arith.sitofp %broadcast_in_dim3A_241 : vector<1x256xi32> to vector<1x256xf32>
    %lt3A_262 = arith.constant 1.600000e+02 : f32
    %lt3A_263 = vector.broadcast %lt3A_262 : f32 to vector<1x256xf32>
    %lt3A_264 = arith.cmpf olt, %add3A_260, %lt3A_263 : vector<1x256xf32>
    %mul3A_265 = arith.constant 1.600000e+02 : f32
    %mul3A_266 = vector.broadcast %mul3A_265 : f32 to vector<1x256xf32>
    %mul3A_267 = arith.mulf %convert_element_type3A_261, %mul3A_266 : vector<1x256xf32>
    %add3A_268 = arith.addf %mul3A_267, %add3A_260 : vector<1x256xf32>
    %jit3A_269 = arith.constant 1.024000e+04 : f32
    %broadcast_in_dim3A_270 = vector.broadcast %jit3A_269 : f32 to vector<1x256xf32>
    %select_n3A_271 = arith.select %lt3A_264, %add3A_268, %broadcast_in_dim3A_270 : vector<1x256xi1>, vector<1x256xf32>
    %convert_element_type3A_272 = arith.fptosi %select_n3A_271 : vector<1x256xf32> to vector<1x256xi32>
    %reshape3A_273 = vector.shape_cast %convert_element_type3A_272 : vector<1x256xi32> to vector<2x128xi32>
    %swap3A_274 = arith.constant 0 : index
    %swap3A_275 = arith.constant 6 : index
    %swap3A_276 = arith.constant 0 : index
    %swap3A_277 = vector.load %arg3[%swap3A_274, %swap3A_275, %swap3A_276] : memref<1x8x128xi32, #tpu.memory_space<vmem>>, vector<1x2x128xi32>
    %swap3A_278 = vector.shape_cast %swap3A_277 : vector<1x2x128xi32> to vector<2x128xi32>
    %swap3A_279 = vector.shape_cast %reshape3A_273 : vector<2x128xi32> to vector<1x2x128xi32>
    tpu.vector_store %arg3[%swap3A_274, %swap3A_275, %swap3A_276], %swap3A_279 {strides = array<i32>} : memref<1x8x128xi32, #tpu.memory_space<vmem>>, vector<1x2x128xi32>,
    %reduce_sum3A_280 = arith.constant dense<0.000000e+00> : vector<64xf32>
    %reduce_sum3A_281 = vector.multi_reduction <add>, %convert_element_type3A_250, %reduce_sum3A_280 [1] : vector<64x256xf32> to vector<64xf32>
    %broadcast_in_dim3A_282 = vector.shape_cast %reduce_sum3A_281 : vector<64xf32> to vector<64x1xf32>
    %add3A_283 = arith.addf %add3A_221, %broadcast_in_dim3A_282 : vector<64x1xf32>
    %swap3A_284 = arith.constant 0 : index
    %swap3A_285 = arith.constant 0 : index
    %swap3A_286 = vector.load %arg5[%swap3A_284, %swap3A_285] : memref<64x1xf32, #tpu.memory_space<vmem>>, vector<64x1xf32>
    tpu.vector_store %arg5[%swap3A_284, %swap3A_285], %add3A_283 {strides = array<i32>} : memref<64x1xf32, #tpu.memory_space<vmem>>, vector<64x1xf32>,
    return
  }
  func.func @transform_0(%arg0: i32) -> (i32, i32) {
    %c0_i32 = arith.constant 0 : i32
    %c0_i32_0 = arith.constant 0 : i32
    return %arg0, %c0_i32 : i32, i32
  }
  func.func @transform_1(%arg0: i32) -> (i32, i32) {
    %c0_i32 = arith.constant 0 : i32
    %c0_i32_0 = arith.constant 0 : i32
    %c0_i32_1 = arith.constant 0 : i32
    return %c0_i32, %c0_i32_0 : i32, i32
  }
  func.func @transform_2(%arg0: i32) -> (i32, i32, i32) {
    %c0_i32 = arith.constant 0 : i32
    %c0_i32_0 = arith.constant 0 : i32
    %c0_i32_1 = arith.constant 0 : i32
    return %arg0, %c0_i32, %c0_i32_0 : i32, i32, i32
  }
  func.func @transform_3(%arg0: i32) -> (i32, i32) {
    %c0_i32 = arith.constant 0 : i32
    %c0_i32_0 = arith.constant 0 : i32
    return %arg0, %c0_i32 : i32, i32
  }
}

</mosaic_0001>

<sc_bundles>
// kernel: kernel.6.cloned.1.call-start
scs
__scs_entry_jumppad:
0x0: {  	(pc) =	sbr.rel $0x88, $3  }
0x1: {  	(tag) =	ssettag $0x0;
	lr =	simm.s32 $0x1  }
0x2: {  	[smem:$0x3F9E] =	sst lr;
	_ =	strace $0xD0000000  }
0x3: {  	_ = 	snop  }
0x4: {  	_ = 	snop  }
0x5: {  	_ = 	snop  }
0x6: {  	_ = 	snop  }
0x7: {  	_ = 	snop  }
__scs_overlays_trampoline_lowered:
0x8: {  	[smem:$0x3FAD] =	sst s0  }
0x9: {  	[smem:$0x3FAE] =	sst s1  }
0xa: {  	[smem:$0x3FAF] =	sst s2  }
0xb: {  	[smem:$0x3FB0] =	sst s3  }
0xc: {  	[smem:$0x3FB1] =	sst s4  }
0xd: {  	[smem:$0x3FB2] =	sst s5  }
0xe: {  	[smem:$0x3FB3] =	sst s6  }
0xf: {  	[smem:$0x3FB4] =	sst s7  }
0x10: {  	[smem:$0x3FB5] =	sst s8  }
0x11: {  	[smem:$0x3FB6] =	sst s9;
	s0 =	simm.s32 @!p0 $0x0  }
0x12: {  	s1 =	sld [smem:$0x3F9C];
	s0 =	simm.s32 @p0 $0x1  }
0x13: {  	[smem:$0x3FB7] =	sst s0;
	s0 =	simm.s32 @!p1 $0x0  }
0x14: {  	s2 =	sld [smem:$0x3F9B];
	s0 =	simm.s32 @p1 $0x1  }
0x15: {  	[smem:$0x3FB8] =	sst s0;
	s0 =	simm.s32 @!p2 $0x0  }
0x16: {  	s3 =	sld [smem:$0x3FDB];
	s0 =	simm.s32 @p2 $0x1  }
0x17: {  	s4 =	simm.s32 $0x1BF5;
	[smem:$0x3FBA] =	sst s0  }
0x18: {  	s0 =	sld [smem:$0x3F9D];
	_ =	swait.ge [sflag:s4], $0x0  }
0x19: {  	s7 =	sld [smem:$0x3F9E]  }
0x1a: {  	s8 =	sadd.s32 $0xFFFFE003, lr  }
0x1b: {  	s9 =	sadd.s32 $0xFFFFFEF7, lr;
	s5 =	simm.s32 $0xFFFFFFFF;
	p2 =	slt.u32 s8, $0xFFFFF086  }
0x1c: {  	p1 =	slt.u32 s9, $0xF7A;
	s5 =	simm.s32 @!p2 $0x0  }
0x1d: {  	s5 =	simm.s32 @p1 $0x1;
	p0 =	seq.s32 s7, s2  }
0x1e: {  	s7 =	smul.u32 @!p0 $0xF7A, s2;
	p2 =	seq.s32 @!p0 s5, $0x0  }
0x1f: {  	s9 =	smul.u32 $0xF7A, s1;
	s8 =	simm.s32 @!p0 $0x1BF5;
	p2 =	por !p2, p0  }
0x20: {  	[sflag:s8] =	ssyncset.s32 @!p0 $0xFFFFF086;
	s6 =	sadd.s32 @!p0 s3, s7;
	s7 =	simm.s32 @!p0 $0x108  }
0x21: {  	s3 =	sadd.s32 s3, s9;
	s6 =	sadd.s32 @!p0 $0x88, s6;
	s7 =	simm.s32 @p2 $0x1082  }
0x22: {  	[simem:s7], [sflag:s8] =	dma.local @!p0 [hbm:s6], $0xF7A  }
0x23: {  	s9 =	sor.u32 $0xD0000000, s2;
	s6 =	simm.s32 $0x108;
	_ =	swait.ge @!p0 [sflag:s8], $0x0  }
0x24: {  	s3 =	sadd.s32 $0x88, s3;
	s6 =	simm.s32 @!p1 $0x1082;
	[sflag:s4] =	ssyncset.s32 $0xFFFFF086  }
0x25: {  	[simem:s6], [sflag:s4] =	dma.local [hbm:s3], $0xF7A  }
0x26: {  	[smem:$0x3F9E] =	sst s1;
	(tag) =	ssettag s2;
	_ =	strace s9  }
0x27: {  	s1 =	sld [smem:$0x3FAE]  }
0x28: {  	s2 =	sld [smem:$0x3FAF]  }
0x29: {  	s4 =	sld [smem:$0x3FB1]  }
0x2a: {  	p0 =	seq.s32 s5, $0x0;
	s5 =	sld [smem:$0x3FB2]  }
0x2b: {  	s6 =	sld [smem:$0x3FB3]  }
0x2c: {  	s7 =	sld [smem:$0x3FB4]  }
0x2d: {  	s3 =	simm.s32 $0x108;
	s8 =	sld [smem:$0x3FB5]  }
0x2e: {  	s3 =	simm.s32 @!p0 $0x1082;
	s9 =	sld [smem:$0x3FB6]  }
0x2f: {  	lr =	sadd.s32 s0, s3;
	s0 =	sld [smem:$0x3FAD]  }
0x30: {  	s3 =	sld [smem:$0x3FB0]  }
0x31: {  	[smem:$0x3FB9] =	sst s10  }
0x32: {  	s10 =	sld [smem:$0x3FB7];
	_ =	sdelay $0x3  }
0x33: {  	p0 =	seq.s32 s10, $0x1;
	s10 =	sld [smem:$0x3FB9];
	_ =	sdelay $0x3  }
0x34: {  	[smem:$0x3FB9] =	sst s10  }
0x35: {  	s10 =	sld [smem:$0x3FB8];
	_ =	sdelay $0x3  }
0x36: {  	p1 =	seq.s32 s10, $0x1;
	s10 =	sld [smem:$0x3FB9];
	_ =	sdelay $0x3  }
0x37: {  	[smem:$0x3FB9] =	sst s10  }
0x38: {  	s10 =	sld [smem:$0x3FBA]  }
0x39: {  	_ = 	snop;
	(pc) =	sbr.ind lr, $3  }
0x3a: {  	_ = 	snop  }
0x3b: {  	_ = 	snop  }
0x3c: {  	p2 =	seq.s32 s10, $0x1;
	s10 =	sld [smem:$0x3FB9]  }
0x3d: {  	_ =	shalt  }
0x3e: {  	_ =	shalt  }
0x3f: {  	_ =	shalt  }
0x40: {  	_ =	shalt  }
0x41: {  	_ =	shalt  }
0x42: {  	_ =	shalt  }
0x43: {  	_ =	shalt  }
0x44: {  	_ =	shalt  }
0x45: {  	_ =	shalt  }
0x46: {  	_ =	shalt  }
0x47: {  	_ =	shalt  }
0x48: {  	_ =	shalt  }
0x49: {  	_ =	shalt  }
0x4a: {  	_ =	shalt  }
0x4b: {  	_ =	shalt  }
0x4c: {  	_ =	shalt  }
0x4d: {  	_ =	shalt  }
0x4e: {  	_ =	shalt  }
0x4f: {  	_ =	shalt  }
0x50: {  	_ =	shalt  }
0x51: {  	_ =	shalt  }
0x52: {  	_ =	shalt  }
0x53: {  	_ =	shalt  }
0x54: {  	_ =	shalt  }
0x55: {  	_ =	shalt  }
0x56: {  	_ =	shalt  }
0x57: {  	_ =	shalt  }
0x58: {  	_ =	shalt  }
0x59: {  	_ =	shalt  }
0x5a: {  	_ =	shalt  }
0x5b: {  	_ =	shalt  }
0x5c: {  	_ =	shalt  }
0x5d: {  	_ =	shalt  }
0x5e: {  	_ =	shalt  }
0x5f: {  	_ =	shalt  }
0x60: {  	_ =	shalt  }
0x61: {  	_ =	shalt  }
0x62: {  	_ =	shalt  }
0x63: {  	_ =	shalt  }
0x64: {  	_ =	shalt  }
0x65: {  	_ =	shalt  }
0x66: {  	_ =	shalt  }
0x67: {  	_ =	shalt  }
0x68: {  	_ =	shalt  }
0x69: {  	_ =	shalt  }
0x6a: {  	_ =	shalt  }
0x6b: {  	_ =	shalt  }
0x6c: {  	_ =	shalt  }
0x6d: {  	_ =	shalt  }
0x6e: {  	_ =	shalt  }
0x6f: {  	_ =	shalt  }
0x70: {  	_ =	shalt  }
0x71: {  	_ =	shalt  }
0x72: {  	_ =	shalt  }
0x73: {  	_ =	shalt  }
0x74: {  	_ =	shalt  }
0x75: {  	_ =	shalt  }
0x76: {  	_ =	shalt  }
0x77: {  	_ =	shalt  }
0x78: {  	_ =	shalt  }
0x79: {  	_ =	shalt  }
0x7a: {  	_ =	shalt  }
0x7b: {  	_ =	shalt  }
0x7c: {  	_ =	shalt  }
0x7d: {  	_ =	shalt  }
0x7e: {  	_ =	shalt  }
0x7f: {  	_ =	shalt  }
0x80: {  	_ =	shalt  }
0x81: {  	_ =	shalt  }
0x82: {  	_ =	shalt  }
0x83: {  	_ =	shalt  }
0x84: {  	_ =	shalt  }
0x85: {  	_ =	shalt  }
0x86: {  	_ =	shalt  }
0x87: {  	_ =	shalt  }
.Lfunc_end0:
.L_simem_size_0:
called_computation_lowered:
.L_overlay_start_0:
0x88: {  	s2 =	sld [smem:$0x3FD9]  }
0x89: {  	s3 =	sld [smem:$0x3FFE];
	_ =	sdelay $0x1  }
0x8a: {  	s1 =	srdreg.scid  }
0x8b: {  	s0 =	sand.u32 $0x1, s1  }
0x8c: {  	s17 =	sshll.u32 s0, $0xA;
	s2 =	sadd.s32 s3, s2  }
0x8d: {  	s2 =	sadd.s32 s2, s17  }
0x8e: {  	[smem:$0x3FC5] =	sst s2  }
0x8f: {  	_ = 	snop  }
0x90: {  	s2 =	sld [smem:$0x3FD0];
	(tm) =	ssettm $0x1  }
0x91: {  	s18 =	sld [smem:$0x3FFB];
	_ =	sdelay $0x3  }
0x92: {  	_ =	strace s18  }
0x93: {  	s3 =	sld [smem:$0x3FFC];
	_ =	sdelay $0x3  }
0x94: {  	_ =	strace s3  }
0x95: {  	s3 =	sld [smem:$0x3FFD];
	_ =	sdelay $0x3  }
0x96: {  	_ =	strace s3  }
0x97: {  	_ =	strace $0x8FFFFFFF  }
0x98: {  	s19 =	sld [smem:$0x3FDB];
	_ =	sdelay $0x1  }
0x99: {  	s4 =	simm.s32 $_scs_section_size  }
0x9a: {  	s5 =	simm.s32 $_size__tile_overlayer_lowered;
	s6 =	simm.s32 $_tile_overlayer_lowered  }
0x9b: {  	s22 =	simm.s32 $0x1BFF;
	s21 =	sshll.u32 s6, $0x1;
	s3 =	sadd.s32 s4, s19  }
0x9c: {  	s7 =	simm.s32 $0x0;
	s20 =	sshll.u32 s5, $0x1;
	s5 =	sadd.s32 s21, s3  }
0x9d: {  	[timem:s7], [sflag:s22] =	dma.local [hbm:s5], s20  }
0x9e: {  	_ =	swait.ge [sflag:s22], s20  }
0x9f: {  	s4 =	ssub.s32 $0x0, s20;
	[sflag:s22] =	ssyncset.done $0x0  }
0xa0: {  	[sflag:s22] =	ssyncadd.s32 s4;
	_ =	sdelay $0x1  }
0xa1: {  	s23 =	simm.s32 $0x1B8B  }
0xa2: {  	_ =	swait.ge [sflag:s23], $0x1  }
0xa3: {  	[sflag:s23] =	ssyncset.done $0x0  }
0xa4: {  	s25 =	simm.s32 $0x1B8E;
	s24 =	sld [smem:$0x3FFE];
	[sflag:s23] =	ssyncadd.s32 $0xFFFFFFFF  }
0xa5: {  	s26 =	simm.s32 $execute0_lowered;
	[smem:$0x3FD2] =	sst s25  }
0xa6: {  	s5 =	sshll.u32 s26, $0x1;
	_ =	strace $0x80000046;
	[dreg:$0x1] =	wrdreg $0xFFFFFFFF  }
0xa7: {  	s28 =	simm.s32 $_size_execute0_lowered;
	s3 =	sadd.s32 s3, s5;
	[dreg:$0x0] =	wrdreg $0x0  }
0xa8: {  	s5 =	sshll.u32 s28, $0x1;
	[dreg:$0x2] =	wrdreg s3  }
0xa9: {  	[dreg:$0x3] =	wrdreg s5  }
0xaa: {  	[dreg:$0x4] =	wrdreg $0xC0  }
0xab: {  	_ =	task [dreg:s7], $0x5FFFF  }
0xac: {  	[dreg:$0x1] =	wrdreg $0xFFFFFFFF  }
0xad: {  	[dreg:$0x0] =	wrdreg $0x60  }
0xae: {  	[dreg:$0x2] =	wrdreg s24  }
0xaf: {  	[dreg:$0x3] =	wrdreg s2  }
0xb0: {  	[dreg:$0x4] =	wrdreg $0x9  }
0xb1: {  	_ =	task.clear_ibuf [dreg:s7], $0x5FFFF;
	_ =	strace $0x90000046  }
0xb2: {  	s29 =	simm.s32 $0x9;
	_ =	strace $0x80000048  }
0xb3: {  	_ =	swait.ge [sflag:s29], $0x1  }
0xb4: {  	[sflag:s29] =	ssyncadd.s32 $0xFFFFFFFF  }
0xb5: {  	_ =	strace $0x90000048  }
0xb6: {  	_ =	sfence  }
0xb7: {  	s30 =	sld [smem:$0x0];
	_ =	sdelay $0x2  }
0xb8: {  	s31 =	sshll.u32 s1, $0xD;
	s1 =	sshrl.u32 s1, $0x2  }
0xb9: {  	s3 =	sand.u32 $0x4000, s31;
	s1 =	sadd.s32 s1, s30  }
0xba: {  	s0 =	sor.u32 s3, s0;
	s1 =	sshll.u32 s1, $0x11  }
0xbb: {  	s0 =	sor.u32 s1, s0  }
0xbc: {  	s0 =	sadd.s32 $0x8F2B, s0  }
0xbd: {  	[sflag:s0] =	ssyncadd.remote.s32 $0x1  }
0xbe: {  	_ =	sfence.sel $0xFFFF  }
0xbf: {  	[dreg:$0x0] =	wrdreg $0xFFFFFFFF;
	(pc) =	sbr.abs _section_cstart, $3  }
0xc0: {  	[dreg:$0x1] =	wrdreg $0xFFFFFFFF  }
0xc1: {  	_ =	task.clear_ibuf [dreg:s7], $0x2FFFF;
	_ =	strace $0x9FFFFFFF  }
0xc2: {  	(tm) =	ssettm $0x7FFFFFFF  }
0xc3: {  	_ =	shalt  }
tec
execute0_lowered:
.L_overlay_start_1:
0x0: {  	(tag) =	ssettag $0x1  }
0x1: {  	s0 =	rddreg [dreg:$0x0]  }
0x2: {  	s2 =	rddreg [dreg:$0x1]  }
0x3: {  	s1 =	srdreg.scid;
	s3 =	simm.s32 $0x0;
	s4 =	stileid.u32  }
0x4: {  	s14 =	simm.s32 $0x1;
	s16 =	simm.s32 $0x880;
	s17 =	simm.s32 $0xC80  }
0x5: {  	s18 =	simm.s32 $0x1480;
	s19 =	simm.s32 $0x1880;
	s20 =	simm.s32 $0x2080  }
0x6: {  	s21 =	simm.s32 $0x2480;
	s22 =	simm.s32 $0x2C80;
	s23 =	simm.s32 $0x3080  }
0x7: {  	s24 =	simm.s32 $0x3880;
	s28 =	simm.s32 $0x4880;
	s29 =	simm.s32 $0x5080  }
0x8: {  	s30 =	simm.s32 $0x5480;
	s31 =	simm.s32 $0x5C80;
	s9 =	simm.s32 $0x7480  }
0x9: {  	s10 =	simm.s32 $0x7880;
	s11 =	simm.s32 $0x8080;
	s12 =	simm.s32 $0x8480  }
0xa: {  	s13 =	simm.s32 $0x8C80;
	s1 =	sand.u32 $0x1, s1;
	[smem:$0x7FF] =	sst s3  }
0xb: {  	s4 =	sshll.u32 s4, $0x6;
	s6 =	sadd.s32 $0x1200, s0;
	s5 =	sshll.u32 s1, $0x5  }
0xc: {  	s0 =	sadd.s32 $0x61200, s0;
	s1 =	ssub.s32 $0x2, s1;
	s4 =	sor.u32 s5, s4  }
0xd: {  	_ =	strace $0x80000047;
	s7 =	sshrl.u32 s1, $0x1;
	s5 =	smul.u32 $0x180, s4  }
0xe: {  	s8 =	sadd.s32 s0, s4;
	s4 =	sor.u32 $0x10, s4;
	s1 =	ssub.s32 s1, s7  }
0xf: {  	s7 =	simm.s32 $0x9080;
	[dreg:$0x3] =	wrdreg s8;
	s0 =	sadd.s32 s0, s4  }
0x10: {  	s25 =	smul.u32 $0x180, s4;
	s5 =	sadd.s32 s6, s5;
	[dreg:$0x5] =	wrdreg s0  }
0x11: {  	v2 =	vlaneseq.u32;
	s4 =	sadd.s32 $0x100, s2;
	s8 =	simm.s32 $0x6C80;
	[dreg:$0x4] =	wrdreg s5  }
0x12: {  	vm0 =	vmmov $0xffff;
	vm1 =	vmmov $0xff;
	v1 =	vshrl.u32 v2, $0x3;
	s26 =	sadd.s32 s6, s25;
	s5 =	smax.u32 s1, $0x1;
	s6 =	simm.s32 $0x2  }
0x13: {  	v0 =	vand.u32 $0x7, v2;
	v2 =	vor.u32 $0x8, v2;
	v1 =	vmul.u32 $0x8, v1;
	s25 =	simm.s32 $0x3C80;
	[dreg:$0x6] =	wrdreg s26;
	s26 =	simm.s32 $0x4480  }
.LBB2_1:
0x14: {  	s15 =	rddreg [dreg:$0x3]  }
0x15: {  	[tilespmem:s3], [sflag:$0x2] =	stream.linear.gather [hbm4b:s15+s3], $0x80, $0x38;
	[tilespmem:$0xC080] =	vst v63  }
0x16: {  	_ =	swait.ge [sflag:s6], $0x80  }
0x17: {  	[sflag:s6] =	ssyncset.done $0x0  }
0x18: {  	s0 =	simm.s32 $0x80;
	s1 =	rddreg [dreg:$0x4];
	[sflag:s6] =	ssyncadd.s32 $0xFFFFFF80  }
0x19: {  	[tilespmem:s0], [sflag:$0x2] =	stream.linear.gather [hbm4b:s1+s3], $0xC000, $0x38;
	[tilespmem:$0xC080] =	vst v63  }
0x1a: {  	_ =	swait.ge [sflag:s6], $0xC000  }
0x1b: {  	[sflag:s6] =	ssyncset.done $0x0  }
0x1c: {  	[sflag:s6] =	ssyncadd.s32 $0xFFFF4000  }
0x1d: {  	v3 =	vld [tilespmem:$0x0];
	_ =	sdelay $0x4  }
0x1e: {  	v4 =	vshrl.u32 v3, $0x3  }
0x1f: {  	v4 =	vmul.u32 $0x18, v4  }
0x20: {  	v3 =	vand.u32 $0x7, v3  }
0x21: {  	v3 =	vor.u32 v3, v4  }
0x22: {  	v4 =	vperm.xlane v3, v0;
	_ =	sdelay $0x1  }
0x23: {  	v4 =	vadd.s32 v1, v4;
	_ =	sdelay $0x1  }
0x24: {  	v3 =	vperm.xlane v3, v2;
	_ =	sdelay $0x1  }
0x25: {  	v3 =	vadd.s32 v1, v3  }
0x26: {  	[hbm4b:s2+s3] =	stream.indirect_vreg.scatter [tilespmem:s0], [sflag:$0x1], $0x80, v4, vm0, $0xb8;
	[tilespmem:$0xC080] =	vst v63  }
0x27: {  	_ = 	snop  }
0x28: {  	[hbm4b:s4+s3] =	stream.indirect_vreg.scatter [tilespmem:s16], [sflag:$0x1], $0x80, v4, vm1, $0xb8;
	[tilespmem:$0xC080] =	vst v63  }
0x29: {  	_ = 	snop  }
0x2a: {  	[hbm4b:s2+s3] =	stream.indirect_vreg.scatter [tilespmem:s17], [sflag:$0x1], $0x80, v3, vm0, $0xb8;
	[tilespmem:$0xC080] =	vst v63  }
0x2b: {  	_ = 	snop  }
0x2c: {  	[hbm4b:s4+s3] =	stream.indirect_vreg.scatter [tilespmem:s18], [sflag:$0x1], $0x80, v3, vm1, $0xb8;
	[tilespmem:$0xC080] =	vst v63  }
0x2d: {  	v3 =	vld [tilespmem:$0x10];
	_ =	sdelay $0x4  }
0x2e: {  	v49 =	vshrl.u32 v3, $0x3  }
0x2f: {  	v4 =	vmul.u32 $0x18, v49  }
0x30: {  	v3 =	vand.u32 $0x7, v3  }
0x31: {  	v3 =	vor.u32 v3, v4  }
0x32: {  	v4 =	vperm.xlane v3, v0;
	_ =	sdelay $0x1  }
0x33: {  	v4 =	vadd.s32 v1, v4;
	_ =	sdelay $0x1  }
0x34: {  	v3 =	vperm.xlane v3, v2;
	_ =	sdelay $0x1  }
0x35: {  	v3 =	vadd.s32 v1, v3  }
0x36: {  	[hbm4b:s2+s3] =	stream.indirect_vreg.scatter [tilespmem:s19], [sflag:$0x1], $0x80, v4, vm0, $0xb8;
	[tilespmem:$0xC080] =	vst v63  }
0x37: {  	_ = 	snop  }
0x38: {  	[hbm4b:s4+s3] =	stream.indirect_vreg.scatter [tilespmem:s20], [sflag:$0x1], $0x80, v4, vm1, $0xb8;
	[tilespmem:$0xC080] =	vst v63  }
0x39: {  	_ = 	snop  }
0x3a: {  	[hbm4b:s2+s3] =	stream.indirect_vreg.scatter [tilespmem:s21], [sflag:$0x1], $0x80, v3, vm0, $0xb8;
	[tilespmem:$0xC080] =	vst v63  }
0x3b: {  	_ = 	snop  }
0x3c: {  	[hbm4b:s4+s3] =	stream.indirect_vreg.scatter [tilespmem:s22], [sflag:$0x1], $0x80, v3, vm1, $0xb8;
	[tilespmem:$0xC080] =	vst v63  }
0x3d: {  	v3 =	vld [tilespmem:$0x20];
	_ =	sdelay $0x4  }
0x3e: {  	v50 =	vshrl.u32 v3, $0x3  }
0x3f: {  	v4 =	vmul.u32 $0x18, v50  }
0x40: {  	v3 =	vand.u32 $0x7, v3  }
0x41: {  	v3 =	vor.u32 v3, v4  }
0x42: {  	v4 =	vperm.xlane v3, v0;
	_ =	sdelay $0x1  }
0x43: {  	v4 =	vadd.s32 v1, v4;
	_ =	sdelay $0x1  }
0x44: {  	v3 =	vperm.xlane v3, v2;
	_ =	sdelay $0x1  }
0x45: {  	v3 =	vadd.s32 v1, v3  }
0x46: {  	[hbm4b:s2+s3] =	stream.indirect_vreg.scatter [tilespmem:s23], [sflag:$0x1], $0x80, v4, vm0, $0xb8;
	[tilespmem:$0xC080] =	vst v63  }
0x47: {  	_ = 	snop  }
0x48: {  	[hbm4b:s4+s3] =	stream.indirect_vreg.scatter [tilespmem:s24], [sflag:$0x1], $0x80, v4, vm1, $0xb8;
	[tilespmem:$0xC080] =	vst v63  }
0x49: {  	_ = 	snop  }
0x4a: {  	[hbm4b:s2+s3] =	stream.indirect_vreg.scatter [tilespmem:s25], [sflag:$0x1], $0x80, v3, vm0, $0xb8;
	[tilespmem:$0xC080] =	vst v63  }
0x4b: {  	_ = 	snop  }
0x4c: {  	[hbm4b:s4+s3] =	stream.indirect_vreg.scatter [tilespmem:s26], [sflag:$0x1], $0x80, v3, vm1, $0xb8;
	[tilespmem:$0xC080] =	vst v63  }
0x4d: {  	v3 =	vld [tilespmem:$0x30];
	_ =	sdelay $0x4  }
0x4e: {  	v51 =	vshrl.u32 v3, $0x3  }
0x4f: {  	v4 =	vmul.u32 $0x18, v51  }
0x50: {  	v3 =	vand.u32 $0x7, v3  }
0x51: {  	v3 =	vor.u32 v3, v4  }
0x52: {  	v4 =	vperm.xlane v3, v0;
	_ =	sdelay $0x1  }
0x53: {  	v4 =	vadd.s32 v1, v4;
	_ =	sdelay $0x1  }
0x54: {  	v3 =	vperm.xlane v3, v2;
	_ =	sdelay $0x1  }
0x55: {  	v3 =	vadd.s32 v1, v3  }
0x56: {  	[hbm4b:s2+s3] =	stream.indirect_vreg.scatter [tilespmem:s28], [sflag:$0x1], $0x80, v4, vm0, $0xb8;
	[tilespmem:$0xC080] =	vst v63  }
0x57: {  	_ = 	snop  }
0x58: {  	[hbm4b:s4+s3] =	stream.indirect_vreg.scatter [tilespmem:s29], [sflag:$0x1], $0x80, v4, vm1, $0xb8;
	[tilespmem:$0xC080] =	vst v63  }
0x59: {  	_ = 	snop  }
0x5a: {  	[hbm4b:s2+s3] =	stream.indirect_vreg.scatter [tilespmem:s30], [sflag:$0x1], $0x80, v3, vm0, $0xb8;
	[tilespmem:$0xC080] =	vst v63  }
0x5b: {  	_ = 	snop  }
0x5c: {  	[hbm4b:s4+s3] =	stream.indirect_vreg.scatter [tilespmem:s31], [sflag:$0x1], $0x80, v3, vm1, $0xb8;
	[tilespmem:$0xC080] =	vst v63  }
0x5d: {  	v3 =	vld [tilespmem:$0x40];
	_ =	sdelay $0x4  }
0x5e: {  	v52 =	vshrl.u32 v3, $0x3  }
0x5f: {  	v4 =	vmul.u32 $0x18, v52  }
0x60: {  	v3 =	vand.u32 $0x7, v3  }
0x61: {  	v3 =	vor.u32 v3, v4  }
0x62: {  	v4 =	vperm.xlane v3, v0;
	_ =	sdelay $0x1  }
0x63: {  	v4 =	vadd.s32 v1, v4;
	_ =	sdelay $0x1  }
0x64: {  	v3 =	vperm.xlane v3, v2;
	_ =	sdelay $0x1  }
0x65: {  	s1 =	simm.s32 $0x6080;
	v3 =	vadd.s32 v1, v3  }
0x66: {  	[hbm4b:s2+s3] =	stream.indirect_vreg.scatter [tilespmem:s1], [sflag:$0x1], $0x80, v4, vm0, $0xb8;
	[tilespmem:$0xC080] =	vst v63  }
0x67: {  	s1 =	simm.s32 $0x6880  }
0x68: {  	[hbm4b:s4+s3] =	stream.indirect_vreg.scatter [tilespmem:s1], [sflag:$0x1], $0x80, v4, vm1, $0xb8;
	[tilespmem:$0xC080] =	vst v63  }
0x69: {  	_ = 	snop  }
0x6a: {  	[hbm4b:s2+s3] =	stream.indirect_vreg.scatter [tilespmem:s8], [sflag:$0x1], $0x80, v3, vm0, $0xb8;
	[tilespmem:$0xC080] =	vst v63  }
0x6b: {  	_ = 	snop  }
0x6c: {  	[hbm4b:s4+s3] =	stream.indirect_vreg.scatter [tilespmem:s9], [sflag:$0x1], $0x80, v3, vm1, $0xb8;
	[tilespmem:$0xC080] =	vst v63  }
0x6d: {  	v3 =	vld [tilespmem:$0x50];
	_ =	sdelay $0x4  }
0x6e: {  	v53 =	vshrl.u32 v3, $0x3  }
0x6f: {  	v4 =	vmul.u32 $0x18, v53  }
0x70: {  	v3 =	vand.u32 $0x7, v3  }
0x71: {  	v3 =	vor.u32 v3, v4  }
0x72: {  	v4 =	vperm.xlane v3, v0;
	_ =	sdelay $0x1  }
0x73: {  	v4 =	vadd.s32 v1, v4;
	_ =	sdelay $0x1  }
0x74: {  	v3 =	vperm.xlane v3, v2;
	_ =	sdelay $0x1  }
0x75: {  	v3 =	vadd.s32 v1, v3  }
0x76: {  	[hbm4b:s2+s3] =	stream.indirect_vreg.scatter [tilespmem:s10], [sflag:$0x1], $0x80, v4, vm0, $0xb8;
	[tilespmem:$0xC080] =	vst v63  }
0x77: {  	_ = 	snop  }
0x78: {  	[hbm4b:s4+s3] =	stream.indirect_vreg.scatter [tilespmem:s11], [sflag:$0x1], $0x80, v4, vm1, $0xb8;
	[tilespmem:$0xC080] =	vst v63  }
0x79: {  	_ = 	snop  }
0x7a: {  	[hbm4b:s2+s3] =	stream.indirect_vreg.scatter [tilespmem:s12], [sflag:$0x1], $0x80, v3, vm0, $0xb8;
	[tilespmem:$0xC080] =	vst v63  }
0x7b: {  	_ = 	snop  }
0x7c: {  	[hbm4b:s4+s3] =	stream.indirect_vreg.scatter [tilespmem:s13], [sflag:$0x1], $0x80, v3, vm1, $0xb8;
	[tilespmem:$0xC080] =	vst v63  }
0x7d: {  	v3 =	vld [tilespmem:$0x60];
	_ =	sdelay $0x4  }
0x7e: {  	v54 =	vshrl.u32 v3, $0x3  }
0x7f: {  	v4 =	vmul.u32 $0x18, v54  }
0x80: {  	v3 =	vand.u32 $0x7, v3  }
0x81: {  	v3 =	vor.u32 v3, v4  }
0x82: {  	v4 =	vperm.xlane v3, v0;
	_ =	sdelay $0x1  }
0x83: {  	v4 =	vadd.s32 v1, v4;
	_ =	sdelay $0x1  }
0x84: {  	v3 =	vperm.xlane v3, v2;
	_ =	sdelay $0x1  }
0x85: {  	v3 =	vadd.s32 v1, v3  }
0x86: {  	[hbm4b:s2+s3] =	stream.indirect_vreg.scatter [tilespmem:s7], [sflag:$0x1], $0x80, v4, vm0, $0xb8;
	[tilespmem:$0xC080] =	vst v63  }
0x87: {  	s15 =	simm.s32 $0x9880  }
0x88: {  	[hbm4b:s4+s3] =	stream.indirect_vreg.scatter [tilespmem:s15], [sflag:$0x1], $0x80, v4, vm1, $0xb8;
	[tilespmem:$0xC080] =	vst v63  }
0x89: {  	s15 =	simm.s32 $0x9C80  }
0x8a: {  	[hbm4b:s2+s3] =	stream.indirect_vreg.scatter [tilespmem:s15], [sflag:$0x1], $0x80, v3, vm0, $0xb8;
	[tilespmem:$0xC080] =	vst v63  }
0x8b: {  	s15 =	simm.s32 $0xA480  }
0x8c: {  	[hbm4b:s4+s3] =	stream.indirect_vreg.scatter [tilespmem:s15], [sflag:$0x1], $0x80, v3, vm1, $0xb8;
	[tilespmem:$0xC080] =	vst v63  }
0x8d: {  	v3 =	vld [tilespmem:$0x70];
	_ =	sdelay $0x4  }
0x8e: {  	v55 =	vshrl.u32 v3, $0x3  }
0x8f: {  	v4 =	vmul.u32 $0x18, v55  }
0x90: {  	v3 =	vand.u32 $0x7, v3  }
0x91: {  	v3 =	vor.u32 v3, v4  }
0x92: {  	v4 =	vperm.xlane v3, v0;
	_ =	sdelay $0x1  }
0x93: {  	v4 =	vadd.s32 v1, v4;
	_ =	sdelay $0x1  }
0x94: {  	v3 =	vperm.xlane v3, v2;
	_ =	sdelay $0x1  }
0x95: {  	s15 =	simm.s32 $0xA880;
	v3 =	vadd.s32 v1, v3  }
0x96: {  	[hbm4b:s2+s3] =	stream.indirect_vreg.scatter [tilespmem:s15], [sflag:$0x1], $0x80, v4, vm0, $0xb8;
	[tilespmem:$0xC080] =	vst v63  }
0x97: {  	s15 =	simm.s32 $0xB080  }
0x98: {  	[hbm4b:s4+s3] =	stream.indirect_vreg.scatter [tilespmem:s15], [sflag:$0x1], $0x80, v4, vm1, $0xb8;
	[tilespmem:$0xC080] =	vst v63  }
0x99: {  	s15 =	simm.s32 $0xB480  }
0x9a: {  	[hbm4b:s2+s3] =	stream.indirect_vreg.scatter [tilespmem:s15], [sflag:$0x1], $0x80, v3, vm0, $0xb8;
	[tilespmem:$0xC080] =	vst v63  }
0x9b: {  	s15 =	simm.s32 $0xBC80  }
0x9c: {  	[hbm4b:s4+s3] =	stream.indirect_vreg.scatter [tilespmem:s15], [sflag:$0x1], $0x80, v3, vm1, $0xb8;
	[tilespmem:$0xC080] =	vst v63  }
0x9d: {  	_ =	swait.ge [sflag:s14], $0xC000  }
0x9e: {  	[sflag:s14] =	ssyncset.done $0x0  }
0x9f: {  	s15 =	rddreg [dreg:$0x5];
	[sflag:s14] =	ssyncadd.s32 $0xFFFF4000  }
0xa0: {  	[tilespmem:s3], [sflag:$0x2] =	stream.linear.gather [hbm4b:s15+s3], $0x80, $0x38;
	[tilespmem:$0xC080] =	vst v63  }
0xa1: {  	_ =	swait.ge [sflag:s6], $0x80  }
0xa2: {  	[sflag:s6] =	ssyncset.done $0x0  }
0xa3: {  	s15 =	rddreg [dreg:$0x6];
	[sflag:s6] =	ssyncadd.s32 $0xFFFFFF80  }
0xa4: {  	[tilespmem:s0], [sflag:$0x2] =	stream.linear.gather [hbm4b:s15+s3], $0xC000, $0x38;
	[tilespmem:$0xC080] =	vst v63  }
0xa5: {  	_ =	swait.ge [sflag:s6], $0xC000  }
0xa6: {  	[sflag:s6] =	ssyncset.done $0x0  }
0xa7: {  	[sflag:s6] =	ssyncadd.s32 $0xFFFF4000  }
0xa8: {  	v3 =	vld [tilespmem:$0x0];
	_ =	sdelay $0x4  }
0xa9: {  	v56 =	vshrl.u32 v3, $0x3  }
0xaa: {  	v4 =	vmul.u32 $0x18, v56  }
0xab: {  	v3 =	vand.u32 $0x7, v3  }
0xac: {  	v3 =	vor.u32 v3, v4  }
0xad: {  	v4 =	vperm.xlane v3, v0;
	_ =	sdelay $0x1  }
0xae: {  	v4 =	vadd.s32 v1, v4;
	_ =	sdelay $0x1  }
0xaf: {  	v3 =	vperm.xlane v3, v2;
	_ =	sdelay $0x1  }
0xb0: {  	v3 =	vadd.s32 v1, v3  }
0xb1: {  	[hbm4b:s2+s3] =	stream.indirect_vreg.scatter [tilespmem:s0], [sflag:$0x1], $0x80, v4, vm0, $0xb8;
	[tilespmem:$0xC080] =	vst v63  }
0xb2: {  	_ = 	snop  }
0xb3: {  	[hbm4b:s4+s3] =	stream.indirect_vreg.scatter [tilespmem:s16], [sflag:$0x1], $0x80, v4, vm1, $0xb8;
	[tilespmem:$0xC080] =	vst v63  }
0xb4: {  	_ = 	snop  }
0xb5: {  	[hbm4b:s2+s3] =	stream.indirect_vreg.scatter [tilespmem:s17], [sflag:$0x1], $0x80, v3, vm0, $0xb8;
	[tilespmem:$0xC080] =	vst v63  }
0xb6: {  	_ = 	snop  }
0xb7: {  	[hbm4b:s4+s3] =	stream.indirect_vreg.scatter [tilespmem:s18], [sflag:$0x1], $0x80, v3, vm1, $0xb8;
	[tilespmem:$0xC080] =	vst v63  }
0xb8: {  	v3 =	vld [tilespmem:$0x10];
	_ =	sdelay $0x4  }
0xb9: {  	v57 =	vshrl.u32 v3, $0x3  }
0xba: {  	v4 =	vmul.u32 $0x18, v57  }
0xbb: {  	v3 =	vand.u32 $0x7, v3  }
0xbc: {  	v3 =	vor.u32 v3, v4  }
0xbd: {  	v4 =	vperm.xlane v3, v0;
	_ =	sdelay $0x1  }
0xbe: {  	v4 =	vadd.s32 v1, v4;
	_ =	sdelay $0x1  }
0xbf: {  	v3 =	vperm.xlane v3, v2;
	_ =	sdelay $0x1  }
0xc0: {  	v3 =	vadd.s32 v1, v3  }
0xc1: {  	[hbm4b:s2+s3] =	stream.indirect_vreg.scatter [tilespmem:s19], [sflag:$0x1], $0x80, v4, vm0, $0xb8;
	[tilespmem:$0xC080] =	vst v63  }
0xc2: {  	_ = 	snop  }
0xc3: {  	[hbm4b:s4+s3] =	stream.indirect_vreg.scatter [tilespmem:s20], [sflag:$0x1], $0x80, v4, vm1, $0xb8;
	[tilespmem:$0xC080] =	vst v63  }
0xc4: {  	_ = 	snop  }
0xc5: {  	[hbm4b:s2+s3] =	stream.indirect_vreg.scatter [tilespmem:s21], [sflag:$0x1], $0x80, v3, vm0, $0xb8;
	[tilespmem:$0xC080] =	vst v63  }
0xc6: {  	_ = 	snop  }
0xc7: {  	[hbm4b:s4+s3] =	stream.indirect_vreg.scatter [tilespmem:s22], [sflag:$0x1], $0x80, v3, vm1, $0xb8;
	[tilespmem:$0xC080] =	vst v63  }
0xc8: {  	v3 =	vld [tilespmem:$0x20];
	_ =	sdelay $0x4  }
0xc9: {  	v58 =	vshrl.u32 v3, $0x3  }
0xca: {  	v4 =	vmul.u32 $0x18, v58  }
0xcb: {  	v3 =	vand.u32 $0x7, v3  }
0xcc: {  	v3 =	vor.u32 v3, v4  }
0xcd: {  	v4 =	vperm.xlane v3, v0;
	_ =	sdelay $0x1  }
0xce: {  	v4 =	vadd.s32 v1, v4;
	_ =	sdelay $0x1  }
0xcf: {  	v3 =	vperm.xlane v3, v2;
	_ =	sdelay $0x1  }
0xd0: {  	v3 =	vadd.s32 v1, v3  }
0xd1: {  	[hbm4b:s2+s3] =	stream.indirect_vreg.scatter [tilespmem:s23], [sflag:$0x1], $0x80, v4, vm0, $0xb8;
	[tilespmem:$0xC080] =	vst v63  }
0xd2: {  	_ = 	snop  }
0xd3: {  	[hbm4b:s4+s3] =	stream.indirect_vreg.scatter [tilespmem:s24], [sflag:$0x1], $0x80, v4, vm1, $0xb8;
	[tilespmem:$0xC080] =	vst v63  }
0xd4: {  	_ = 	snop  }
0xd5: {  	[hbm4b:s2+s3] =	stream.indirect_vreg.scatter [tilespmem:s25], [sflag:$0x1], $0x80, v3, vm0, $0xb8;
	[tilespmem:$0xC080] =	vst v63  }
0xd6: {  	_ = 	snop  }
0xd7: {  	[hbm4b:s4+s3] =	stream.indirect_vreg.scatter [tilespmem:s26], [sflag:$0x1], $0x80, v3, vm1, $0xb8;
	[tilespmem:$0xC080] =	vst v63  }
0xd8: {  	v3 =	vld [tilespmem:$0x30];
	_ =	sdelay $0x4  }
0xd9: {  	v59 =	vshrl.u32 v3, $0x3  }
0xda: {  	v4 =	vmul.u32 $0x18, v59  }
0xdb: {  	v3 =	vand.u32 $0x7, v3  }
0xdc: {  	v3 =	vor.u32 v3, v4  }
0xdd: {  	v4 =	vperm.xlane v3, v0;
	_ =	sdelay $0x1  }
0xde: {  	v4 =	vadd.s32 v1, v4;
	_ =	sdelay $0x1  }
0xdf: {  	v3 =	vperm.xlane v3, v2;
	_ =	sdelay $0x1  }
0xe0: {  	v3 =	vadd.s32 v1, v3  }
0xe1: {  	[hbm4b:s2+s3] =	stream.indirect_vreg.scatter [tilespmem:s28], [sflag:$0x1], $0x80, v4, vm0, $0xb8;
	[tilespmem:$0xC080] =	vst v63  }
0xe2: {  	_ = 	snop  }
0xe3: {  	[hbm4b:s4+s3] =	stream.indirect_vreg.scatter [tilespmem:s29], [sflag:$0x1], $0x80, v4, vm1, $0xb8;
	[tilespmem:$0xC080] =	vst v63  }
0xe4: {  	_ = 	snop  }
0xe5: {  	[hbm4b:s2+s3] =	stream.indirect_vreg.scatter [tilespmem:s30], [sflag:$0x1], $0x80, v3, vm0, $0xb8;
	[tilespmem:$0xC080] =	vst v63  }
0xe6: {  	_ = 	snop  }
0xe7: {  	[hbm4b:s4+s3] =	stream.indirect_vreg.scatter [tilespmem:s31], [sflag:$0x1], $0x80, v3, vm1, $0xb8;
	[tilespmem:$0xC080] =	vst v63  }
0xe8: {  	v3 =	vld [tilespmem:$0x40];
	_ =	sdelay $0x4  }
0xe9: {  	v60 =	vshrl.u32 v3, $0x3  }
0xea: {  	v4 =	vmul.u32 $0x18, v60  }
0xeb: {  	v3 =	vand.u32 $0x7, v3  }
0xec: {  	v3 =	vor.u32 v3, v4  }
0xed: {  	v4 =	vperm.xlane v3, v0;
	_ =	sdelay $0x1  }
0xee: {  	v4 =	vadd.s32 v1, v4;
	_ =	sdelay $0x1  }
0xef: {  	v3 =	vperm.xlane v3, v2;
	_ =	sdelay $0x1  }
0xf0: {  	s15 =	simm.s32 $0x6080;
	v3 =	vadd.s32 v1, v3  }
0xf1: {  	[hbm4b:s2+s3] =	stream.indirect_vreg.scatter [tilespmem:s15], [sflag:$0x1], $0x80, v4, vm0, $0xb8;
	[tilespmem:$0xC080] =	vst v63  }
0xf2: {  	_ = 	snop  }
0xf3: {  	[hbm4b:s4+s3] =	stream.indirect_vreg.scatter [tilespmem:s1], [sflag:$0x1], $0x80, v4, vm1, $0xb8;
	[tilespmem:$0xC080] =	vst v63  }
0xf4: {  	_ = 	snop  }
0xf5: {  	[hbm4b:s2+s3] =	stream.indirect_vreg.scatter [tilespmem:s8], [sflag:$0x1], $0x80, v3, vm0, $0xb8;
	[tilespmem:$0xC080] =	vst v63  }
0xf6: {  	_ = 	snop  }
0xf7: {  	[hbm4b:s4+s3] =	stream.indirect_vreg.scatter [tilespmem:s9], [sflag:$0x1], $0x80, v3, vm1, $0xb8;
	[tilespmem:$0xC080] =	vst v63  }
0xf8: {  	v3 =	vld [tilespmem:$0x50];
	_ =	sdelay $0x4  }
0xf9: {  	v61 =	vshrl.u32 v3, $0x3  }
0xfa: {  	v4 =	vmul.u32 $0x18, v61  }
0xfb: {  	v3 =	vand.u32 $0x7, v3  }
0xfc: {  	v3 =	vor.u32 v3, v4  }
0xfd: {  	v4 =	vperm.xlane v3, v0;
	_ =	sdelay $0x1  }
0xfe: {  	v4 =	vadd.s32 v1, v4;
	_ =	sdelay $0x1  }
0xff: {  	v3 =	vperm.xlane v3, v2;
	_ =	sdelay $0x1  }
0x100: {  	v3 =	vadd.s32 v1, v3  }
0x101: {  	[hbm4b:s2+s3] =	stream.indirect_vreg.scatter [tilespmem:s10], [sflag:$0x1], $0x80, v4, vm0, $0xb8;
	[tilespmem:$0xC080] =	vst v63  }
0x102: {  	_ = 	snop  }
0x103: {  	[hbm4b:s4+s3] =	stream.indirect_vreg.scatter [tilespmem:s11], [sflag:$0x1], $0x80, v4, vm1, $0xb8;
	[tilespmem:$0xC080] =	vst v63  }
0x104: {  	_ = 	snop  }
0x105: {  	[hbm4b:s2+s3] =	stream.indirect_vreg.scatter [tilespmem:s12], [sflag:$0x1], $0x80, v3, vm0, $0xb8;
	[tilespmem:$0xC080] =	vst v63  }
0x106: {  	_ = 	snop  }
0x107: {  	[hbm4b:s4+s3] =	stream.indirect_vreg.scatter [tilespmem:s13], [sflag:$0x1], $0x80, v3, vm1, $0xb8;
	[tilespmem:$0xC080] =	vst v63  }
0x108: {  	v3 =	vld [tilespmem:$0x60];
	_ =	sdelay $0x4  }
0x109: {  	v62 =	vshrl.u32 v3, $0x3  }
0x10a: {  	v4 =	vmul.u32 $0x18, v62  }
0x10b: {  	v3 =	vand.u32 $0x7, v3  }
0x10c: {  	v3 =	vor.u32 v3, v4  }
0x10d: {  	v4 =	vperm.xlane v3, v0;
	_ =	sdelay $0x1  }
0x10e: {  	v4 =	vadd.s32 v1, v4;
	_ =	sdelay $0x1  }
0x10f: {  	v3 =	vperm.xlane v3, v2;
	_ =	sdelay $0x1  }
0x110: {  	v3 =	vadd.s32 v1, v3  }
0x111: {  	[hbm4b:s2+s3] =	stream.indirect_vreg.scatter [tilespmem:s7], [sflag:$0x1], $0x80, v4, vm0, $0xb8;
	[tilespmem:$0xC080] =	vst v63  }
0x112: {  	s15 =	simm.s32 $0x9880  }
0x113: {  	[hbm4b:s4+s3] =	stream.indirect_vreg.scatter [tilespmem:s15], [sflag:$0x1], $0x80, v4, vm1, $0xb8;
	[tilespmem:$0xC080] =	vst v63  }
0x114: {  	s1 =	simm.s32 $0x9C80  }
0x115: {  	[hbm4b:s2+s3] =	stream.indirect_vreg.scatter [tilespmem:s1], [sflag:$0x1], $0x80, v3, vm0, $0xb8;
	[tilespmem:$0xC080] =	vst v63  }
0x116: {  	s15 =	simm.s32 $0xA480  }
0x117: {  	[hbm4b:s4+s3] =	stream.indirect_vreg.scatter [tilespmem:s15], [sflag:$0x1], $0x80, v3, vm1, $0xb8;
	[tilespmem:$0xC080] =	vst v63  }
0x118: {  	v3 =	vld [tilespmem:$0x70];
	_ =	sdelay $0x4  }
0x119: {  	v63 =	vshrl.u32 v3, $0x3  }
0x11a: {  	v4 =	vmul.u32 $0x18, v63  }
0x11b: {  	v3 =	vand.u32 $0x7, v3  }
0x11c: {  	v3 =	vor.u32 v3, v4  }
0x11d: {  	v4 =	vperm.xlane v3, v0;
	_ =	sdelay $0x1  }
0x11e: {  	v4 =	vadd.s32 v1, v4;
	_ =	sdelay $0x1  }
0x11f: {  	v3 =	vperm.xlane v3, v2;
	_ =	sdelay $0x1  }
0x120: {  	s1 =	simm.s32 $0xA880;
	v3 =	vadd.s32 v1, v3  }
0x121: {  	[hbm4b:s2+s3] =	stream.indirect_vreg.scatter [tilespmem:s1], [sflag:$0x1], $0x80, v4, vm0, $0xb8;
	[tilespmem:$0xC080] =	vst v63  }
0x122: {  	s15 =	simm.s32 $0xB080  }
0x123: {  	[hbm4b:s4+s3] =	stream.indirect_vreg.scatter [tilespmem:s15], [sflag:$0x1], $0x80, v4, vm1, $0xb8;
	[tilespmem:$0xC080] =	vst v63  }
0x124: {  	p0 =	sne.s32 s5, $0x1;
	s1 =	simm.s32 $0xB480  }
0x125: {  	[hbm4b:s2+s3] =	stream.indirect_vreg.scatter [tilespmem:s1], [sflag:$0x1], $0x80, v3, vm0, $0xb8;
	[tilespmem:$0xC080] =	vst v63  }
.Ltmp0:
0x126: {  	s15 =	simm.s32 $0xBC80;
	(pc) =	sbr.rel @p0 .LBB2_1-.Ltmp0, $4  }
0x127: {  	[hbm4b:s4+s3] =	stream.indirect_vreg.scatter [tilespmem:s15], [sflag:$0x1], $0x80, v3, vm1, $0xb8;
	[tilespmem:$0xC080] =	vst v63  }
0x128: {  	_ =	swait.ge [sflag:s14], $0xC000  }
0x129: {  	[sflag:s14] =	ssyncset.done $0x0  }
0x12a: {  	s5 =	sadd.s32 $0xFFFFFFFF, s5;
	[sflag:s14] =	ssyncadd.s32 $0xFFFF4000  }
0x12b: {  	_ =	sfence.sel $0x180000  }
0x12c: {  	[bflag:$0x0] =	sbarrier.arrive $0xFFFF  }
0x12d: {  	_ =	strace $0x90000047  }
0x12e: {  	s0 =	stileid.u32;
	[bflag:$0x2] =	sbarrier.arrive $0xFFFF  }
0x12f: {  	p0 =	sne.s32 s0, $0x0;
	s0 =	rddreg [dreg:$0x2]  }
0x130: {  	s0 =	sadd.s32 @!p0 $0x100000, s0  }
0x131: {  	[sflag:s0] =	ssyncadd.tile.s32 @!p0 $0x1;
	_ =	shalt  }
.Lfunc_end2:
_tile_overlayer_lowered:
.L_overlay_start_2:
0x132: {  	(tag) =	ssettag $0x2  }
0x133: {  	s0 =	rddreg [dreg:$0x0];
	s2 =	stileid.u32  }
0x134: {  	s1 =	rddreg [dreg:$0x1];
	p0 =	sne.s32 s2, $0x0  }
0x135: {  	s3 =	rddreg [dreg:$0x2];
	[bflag:$0x3] =	sbarrier.arrive $0xFFFF;
	s2 =	simm.s32 @!p0 $0x1C02  }
0x136: {  	[timem:s3], [sflag:s2] =	dma.local @!p0 [hbm:s0], s1  }
0x137: {  	s0 =	simm.s32 @!p0 $0x2  }
0x138: {  	_ =	swait.ge @!p0 [sflag:s0], s1  }
0x139: {  	s1 =	ssub.s32 @!p0 $0x0, s1;
	[sflag:s0] =	ssyncset.done @!p0 $0x0  }
0x13a: {  	[sflag:s0] =	ssyncadd.s32 @!p0 s1  }
0x13b: {  	[bflag:$0x3] =	sbarrier.arrive $0xFFFF  }
0x13c: {  	_ =	shalt  }

// kernel: kernel.9.cloned.1.call-start
scs
__scs_entry_jumppad:
0x0: {  	(pc) =	sbr.rel $0x88, $3  }
0x1: {  	(tag) =	ssettag $0x0;
	lr =	simm.s32 $0x1  }
0x2: {  	[smem:$0x3F9E] =	sst lr;
	_ =	strace $0xD0000000  }
0x3: {  	_ = 	snop  }
0x4: {  	_ = 	snop  }
0x5: {  	_ = 	snop  }
0x6: {  	_ = 	snop  }
0x7: {  	_ = 	snop  }
__scs_overlays_trampoline_lowered:
0x8: {  	[smem:$0x3FAD] =	sst s0  }
0x9: {  	[smem:$0x3FAE] =	sst s1  }
0xa: {  	[smem:$0x3FAF] =	sst s2  }
0xb: {  	[smem:$0x3FB0] =	sst s3  }
0xc: {  	[smem:$0x3FB1] =	sst s4  }
0xd: {  	[smem:$0x3FB2] =	sst s5  }
0xe: {  	[smem:$0x3FB3] =	sst s6  }
0xf: {  	[smem:$0x3FB4] =	sst s7  }
0x10: {  	[smem:$0x3FB5] =	sst s8  }
0x11: {  	[smem:$0x3FB6] =	sst s9;
	s0 =	simm.s32 @!p0 $0x0  }
0x12: {  	s1 =	sld [smem:$0x3F9C];
	s0 =	simm.s32 @p0 $0x1  }
0x13: {  	[smem:$0x3FB7] =	sst s0;
	s0 =	simm.s32 @!p1 $0x0  }
0x14: {  	s2 =	sld [smem:$0x3F9B];
	s0 =	simm.s32 @p1 $0x1  }
0x15: {  	[smem:$0x3FB8] =	sst s0;
	s0 =	simm.s32 @!p2 $0x0  }
0x16: {  	s3 =	sld [smem:$0x3FDB];
	s0 =	simm.s32 @p2 $0x1  }
0x17: {  	s4 =	simm.s32 $0x1BF5;
	[smem:$0x3FBA] =	sst s0  }
0x18: {  	s0 =	sld [smem:$0x3F9D];
	_ =	swait.ge [sflag:s4], $0x0  }
0x19: {  	s7 =	sld [smem:$0x3F9E]  }
0x1a: {  	s8 =	sadd.s32 $0xFFFFE003, lr  }
0x1b: {  	s9 =	sadd.s32 $0xFFFFFEF7, lr;
	s5 =	simm.s32 $0xFFFFFFFF;
	p2 =	slt.u32 s8, $0xFFFFF086  }
0x1c: {  	p1 =	slt.u32 s9, $0xF7A;
	s5 =	simm.s32 @!p2 $0x0  }
0x1d: {  	s5 =	simm.s32 @p1 $0x1;
	p0 =	seq.s32 s7, s2  }
0x1e: {  	s7 =	smul.u32 @!p0 $0xF7A, s2;
	p2 =	seq.s32 @!p0 s5, $0x0  }
0x1f: {  	s9 =	smul.u32 $0xF7A, s1;
	s8 =	simm.s32 @!p0 $0x1BF5;
	p2 =	por !p2, p0  }
0x20: {  	[sflag:s8] =	ssyncset.s32 @!p0 $0xFFFFF086;
	s6 =	sadd.s32 @!p0 s3, s7;
	s7 =	simm.s32 @!p0 $0x108  }
0x21: {  	s3 =	sadd.s32 s3, s9;
	s6 =	sadd.s32 @!p0 $0x88, s6;
	s7 =	simm.s32 @p2 $0x1082  }
0x22: {  	[simem:s7], [sflag:s8] =	dma.local @!p0 [hbm:s6], $0xF7A  }
0x23: {  	s9 =	sor.u32 $0xD0000000, s2;
	s6 =	simm.s32 $0x108;
	_ =	swait.ge @!p0 [sflag:s8], $0x0  }
0x24: {  	s3 =	sadd.s32 $0x88, s3;
	s6 =	simm.s32 @!p1 $0x1082;
	[sflag:s4] =	ssyncset.s32 $0xFFFFF086  }
0x25: {  	[simem:s6], [sflag:s4] =	dma.local [hbm:s3], $0xF7A  }
0x26: {  	[smem:$0x3F9E] =	sst s1;
	(tag) =	ssettag s2;
	_ =	strace s9  }
0x27: {  	s1 =	sld [smem:$0x3FAE]  }
0x28: {  	s2 =	sld [smem:$0x3FAF]  }
0x29: {  	s4 =	sld [smem:$0x3FB1]  }
0x2a: {  	p0 =	seq.s32 s5, $0x0;
	s5 =	sld [smem:$0x3FB2]  }
0x2b: {  	s6 =	sld [smem:$0x3FB3]  }
0x2c: {  	s7 =	sld [smem:$0x3FB4]  }
0x2d: {  	s3 =	simm.s32 $0x108;
	s8 =	sld [smem:$0x3FB5]  }
0x2e: {  	s3 =	simm.s32 @!p0 $0x1082;
	s9 =	sld [smem:$0x3FB6]  }
0x2f: {  	lr =	sadd.s32 s0, s3;
	s0 =	sld [smem:$0x3FAD]  }
0x30: {  	s3 =	sld [smem:$0x3FB0]  }
0x31: {  	[smem:$0x3FB9] =	sst s10  }
0x32: {  	s10 =	sld [smem:$0x3FB7];
	_ =	sdelay $0x3  }
0x33: {  	p0 =	seq.s32 s10, $0x1;
	s10 =	sld [smem:$0x3FB9];
	_ =	sdelay $0x3  }
0x34: {  	[smem:$0x3FB9] =	sst s10  }
0x35: {  	s10 =	sld [smem:$0x3FB8];
	_ =	sdelay $0x3  }
0x36: {  	p1 =	seq.s32 s10, $0x1;
	s10 =	sld [smem:$0x3FB9];
	_ =	sdelay $0x3  }
0x37: {  	[smem:$0x3FB9] =	sst s10  }
0x38: {  	s10 =	sld [smem:$0x3FBA]  }
0x39: {  	_ = 	snop;
	(pc) =	sbr.ind lr, $3  }
0x3a: {  	_ = 	snop  }
0x3b: {  	_ = 	snop  }
0x3c: {  	p2 =	seq.s32 s10, $0x1;
	s10 =	sld [smem:$0x3FB9]  }
0x3d: {  	_ =	shalt  }
0x3e: {  	_ =	shalt  }
0x3f: {  	_ =	shalt  }
0x40: {  	_ =	shalt  }
0x41: {  	_ =	shalt  }
0x42: {  	_ =	shalt  }
0x43: {  	_ =	shalt  }
0x44: {  	_ =	shalt  }
0x45: {  	_ =	shalt  }
0x46: {  	_ =	shalt  }
0x47: {  	_ =	shalt  }
0x48: {  	_ =	shalt  }
0x49: {  	_ =	shalt  }
0x4a: {  	_ =	shalt  }
0x4b: {  	_ =	shalt  }
0x4c: {  	_ =	shalt  }
0x4d: {  	_ =	shalt  }
0x4e: {  	_ =	shalt  }
0x4f: {  	_ =	shalt  }
0x50: {  	_ =	shalt  }
0x51: {  	_ =	shalt  }
0x52: {  	_ =	shalt  }
0x53: {  	_ =	shalt  }
0x54: {  	_ =	shalt  }
0x55: {  	_ =	shalt  }
0x56: {  	_ =	shalt  }
0x57: {  	_ =	shalt  }
0x58: {  	_ =	shalt  }
0x59: {  	_ =	shalt  }
0x5a: {  	_ =	shalt  }
0x5b: {  	_ =	shalt  }
0x5c: {  	_ =	shalt  }
0x5d: {  	_ =	shalt  }
0x5e: {  	_ =	shalt  }
0x5f: {  	_ =	shalt  }
0x60: {  	_ =	shalt  }
0x61: {  	_ =	shalt  }
0x62: {  	_ =	shalt  }
0x63: {  	_ =	shalt  }
0x64: {  	_ =	shalt  }
0x65: {  	_ =	shalt  }
0x66: {  	_ =	shalt  }
0x67: {  	_ =	shalt  }
0x68: {  	_ =	shalt  }
0x69: {  	_ =	shalt  }
0x6a: {  	_ =	shalt  }
0x6b: {  	_ =	shalt  }
0x6c: {  	_ =	shalt  }
0x6d: {  	_ =	shalt  }
0x6e: {  	_ =	shalt  }
0x6f: {  	_ =	shalt  }
0x70: {  	_ =	shalt  }
0x71: {  	_ =	shalt  }
0x72: {  	_ =	shalt  }
0x73: {  	_ =	shalt  }
0x74: {  	_ =	shalt  }
0x75: {  	_ =	shalt  }
0x76: {  	_ =	shalt  }
0x77: {  	_ =	shalt  }
0x78: {  	_ =	shalt  }
0x79: {  	_ =	shalt  }
0x7a: {  	_ =	shalt  }
0x7b: {  	_ =	shalt  }
0x7c: {  	_ =	shalt  }
0x7d: {  	_ =	shalt  }
0x7e: {  	_ =	shalt  }
0x7f: {  	_ =	shalt  }
0x80: {  	_ =	shalt  }
0x81: {  	_ =	shalt  }
0x82: {  	_ =	shalt  }
0x83: {  	_ =	shalt  }
0x84: {  	_ =	shalt  }
0x85: {  	_ =	shalt  }
0x86: {  	_ =	shalt  }
0x87: {  	_ =	shalt  }
.Lfunc_end0:
.L_simem_size_0:
called_computation.1_lowered:
.L_overlay_start_0:
0x88: {  	s2 =	sld [smem:$0x3FD9]  }
0x89: {  	s3 =	sld [smem:$0x3FFE];
	_ =	sdelay $0x1  }
0x8a: {  	s1 =	srdreg.scid  }
0x8b: {  	s0 =	sand.u32 $0x1, s1  }
0x8c: {  	s17 =	sshll.u32 s0, $0xA;
	s2 =	sadd.s32 s3, s2  }
0x8d: {  	s2 =	sadd.s32 s2, s17  }
0x8e: {  	[smem:$0x3FC5] =	sst s2  }
0x8f: {  	_ = 	snop  }
0x90: {  	s2 =	sld [smem:$0x3FD0];
	(tm) =	ssettm $0x1  }
0x91: {  	s18 =	sld [smem:$0x3FFB];
	_ =	sdelay $0x3  }
0x92: {  	_ =	strace s18  }
0x93: {  	s3 =	sld [smem:$0x3FFC];
	_ =	sdelay $0x3  }
0x94: {  	_ =	strace s3  }
0x95: {  	s3 =	sld [smem:$0x3FFD];
	_ =	sdelay $0x3  }
0x96: {  	_ =	strace s3  }
0x97: {  	_ =	strace $0x8FFFFFFF  }
0x98: {  	s19 =	sld [smem:$0x3FDB];
	_ =	sdelay $0x1  }
0x99: {  	s4 =	simm.s32 $_scs_section_size  }
0x9a: {  	s5 =	simm.s32 $_size__tile_overlayer_lowered;
	s6 =	simm.s32 $_tile_overlayer_lowered  }
0x9b: {  	s22 =	simm.s32 $0x1BFF;
	s21 =	sshll.u32 s6, $0x1;
	s3 =	sadd.s32 s4, s19  }
0x9c: {  	s7 =	simm.s32 $0x0;
	s20 =	sshll.u32 s5, $0x1;
	s5 =	sadd.s32 s21, s3  }
0x9d: {  	[timem:s7], [sflag:s22] =	dma.local [hbm:s5], s20  }
0x9e: {  	_ =	swait.ge [sflag:s22], s20  }
0x9f: {  	s4 =	ssub.s32 $0x0, s20;
	[sflag:s22] =	ssyncset.done $0x0  }
0xa0: {  	[sflag:s22] =	ssyncadd.s32 s4;
	_ =	sdelay $0x1  }
0xa1: {  	s23 =	simm.s32 $0x1B8B  }
0xa2: {  	_ =	swait.ge [sflag:s23], $0x1  }
0xa3: {  	[sflag:s23] =	ssyncset.done $0x0  }
0xa4: {  	s25 =	simm.s32 $0x1B8E;
	s24 =	sld [smem:$0x3FFE];
	[sflag:s23] =	ssyncadd.s32 $0xFFFFFFFF  }
0xa5: {  	s26 =	simm.s32 $execute0_lowered;
	[smem:$0x3FD2] =	sst s25  }
0xa6: {  	s5 =	sshll.u32 s26, $0x1;
	_ =	strace $0x80000049;
	[dreg:$0x1] =	wrdreg $0xFFFFFFFF  }
0xa7: {  	s28 =	simm.s32 $_size_execute0_lowered;
	s3 =	sadd.s32 s3, s5;
	[dreg:$0x0] =	wrdreg $0x0  }
0xa8: {  	s5 =	sshll.u32 s28, $0x1;
	[dreg:$0x2] =	wrdreg s3  }
0xa9: {  	[dreg:$0x3] =	wrdreg s5  }
0xaa: {  	[dreg:$0x4] =	wrdreg $0xC0  }
0xab: {  	_ =	task [dreg:s7], $0x5FFFF  }
0xac: {  	[dreg:$0x1] =	wrdreg $0xFFFFFFFF  }
0xad: {  	[dreg:$0x0] =	wrdreg $0x60  }
0xae: {  	[dreg:$0x2] =	wrdreg s24  }
0xaf: {  	[dreg:$0x3] =	wrdreg s2  }
0xb0: {  	[dreg:$0x4] =	wrdreg $0x9  }
0xb1: {  	_ =	task.clear_ibuf [dreg:s7], $0x5FFFF;
	_ =	strace $0x90000049  }
0xb2: {  	s29 =	simm.s32 $0x9;
	_ =	strace $0x8000004B  }
0xb3: {  	_ =	swait.ge [sflag:s29], $0x1  }
0xb4: {  	[sflag:s29] =	ssyncadd.s32 $0xFFFFFFFF  }
0xb5: {  	_ =	strace $0x9000004B  }
0xb6: {  	_ =	sfence  }
0xb7: {  	s30 =	sld [smem:$0x0];
	_ =	sdelay $0x2  }
0xb8: {  	s31 =	sshll.u32 s1, $0xD;
	s1 =	sshrl.u32 s1, $0x2  }
0xb9: {  	s3 =	sand.u32 $0x4000, s31;
	s1 =	sadd.s32 s1, s30  }
0xba: {  	s0 =	sor.u32 s3, s0;
	s1 =	sshll.u32 s1, $0x11  }
0xbb: {  	s0 =	sor.u32 s1, s0  }
0xbc: {  	s0 =	sadd.s32 $0x8F2B, s0  }
0xbd: {  	[sflag:s0] =	ssyncadd.remote.s32 $0x1  }
0xbe: {  	_ =	sfence.sel $0xFFFF  }
0xbf: {  	[dreg:$0x0] =	wrdreg $0xFFFFFFFF;
	(pc) =	sbr.abs _section_cstart, $3  }
0xc0: {  	[dreg:$0x1] =	wrdreg $0xFFFFFFFF  }
0xc1: {  	_ =	task.clear_ibuf [dreg:s7], $0x2FFFF;
	_ =	strace $0x9FFFFFFF  }
0xc2: {  	(tm) =	ssettm $0x7FFFFFFF  }
0xc3: {  	_ =	shalt  }
tec
execute0_lowered:
.L_overlay_start_1:
0x0: {  	(tag) =	ssettag $0x1  }
0x1: {  	s0 =	rddreg [dreg:$0x0]  }
0x2: {  	s1 =	rddreg [dreg:$0x1];
	s3 =	srdreg.scid  }
0x3: {  	s2 =	simm.s32 $0x0;
	s5 =	stileid.u32;
	s10 =	simm.s32 $0x880  }
0x4: {  	s11 =	simm.s32 $0x1080;
	s12 =	simm.s32 $0x1880;
	s13 =	simm.s32 $0x2080  }
0x5: {  	s14 =	simm.s32 $0x2880;
	s15 =	simm.s32 $0x3080;
	s16 =	simm.s32 $0x3880  }
0x6: {  	s17 =	simm.s32 $0x4080;
	s18 =	simm.s32 $0x4880;
	s19 =	simm.s32 $0x5080  }
0x7: {  	s20 =	simm.s32 $0x5880;
	s21 =	simm.s32 $0x6080;
	s22 =	simm.s32 $0x6880  }
0x8: {  	s28 =	simm.s32 $0x9080;
	s29 =	simm.s32 $0x9880;
	s30 =	simm.s32 $0xA080  }
0x9: {  	s31 =	simm.s32 $0xA880;
	s4 =	sand.u32 $0x1, s3;
	[smem:$0x7FF] =	sst s2  }
0xa: {  	s23 =	sshll.u32 s5, $0x6;
	s3 =	sadd.s32 $0x61600, s0;
	s6 =	sadd.s32 $0x61200, s0  }
0xb: {  	s24 =	sshll.u32 s4, $0x5;
	_ =	strace $0x8000004A;
	s4 =	ssub.s32 $0x2, s4  }
0xc: {  	s5 =	sor.u32 s24, s23;
	s9 =	sshrl.u32 s4, $0x1;
	s23 =	simm.s32 $0x7080  }
0xd: {  	s24 =	simm.s32 $0x7880;
	s7 =	smul.u32 $0x300, s5;
	s8 =	sadd.s32 s6, s5  }
0xe: {  	s5 =	sor.u32 $0x10, s5;
	s26 =	ssub.s32 s4, s9;
	s4 =	sadd.s32 $0x61700, s0  }
0xf: {  	[dreg:$0x3] =	wrdreg s8;
	s25 =	smul.u32 $0x300, s5;
	s5 =	sadd.s32 s6, s5  }
0x10: {  	s6 =	smax.u32 s26, $0x1;
	s26 =	simm.s32 $0x8880;
	s8 =	simm.s32 $0xB880  }
0x11: {  	v2 =	vlaneseq.u32;
	s7 =	sadd.s32 s1, s7;
	[dreg:$0x5] =	wrdreg s5;
	s5 =	sadd.s32 $0x61800, s0  }
0x12: {  	vm0 =	vmmov $0xffff;
	v1 =	vshrl.u32 v2, $0x3;
	[dreg:$0x4] =	wrdreg s7;
	s1 =	sadd.s32 s1, s25;
	s7 =	simm.s32 $0x2  }
0x13: {  	v0 =	vand.u32 $0x7, v2;
	v2 =	vor.u32 $0x8, v2;
	v1 =	vmul.u32 $0x8, v1;
	s25 =	simm.s32 $0x8080;
	[dreg:$0x6] =	wrdreg s1;
	s1 =	simm.s32 $0x1  }
.LBB2_1:
0x14: {  	s9 =	rddreg [dreg:$0x3]  }
0x15: {  	[tilespmem:s2], [sflag:$0x2] =	stream.linear.gather [hbm4b:s9+s2], $0x80, $0x38;
	[tilespmem:$0x18080] =	vst v63  }
0x16: {  	_ =	swait.ge [sflag:s7], $0x80  }
0x17: {  	[sflag:s7] =	ssyncset.done $0x0  }
0x18: {  	[sflag:s7] =	ssyncadd.s32 $0xFFFFFF80  }
0x19: {  	v3 =	vld [tilespmem:$0x0];
	_ =	sdelay $0x4  }
0x1a: {  	v4 =	vshrl.u32 v3, $0x3  }
0x1b: {  	v4 =	vmul.u32 $0x30, v4  }
0x1c: {  	v3 =	vand.u32 $0x7, v3  }
0x1d: {  	v3 =	vor.u32 v3, v4  }
0x1e: {  	v4 =	vperm.xlane v3, v0;
	_ =	sdelay $0x1  }
0x1f: {  	v4 =	vadd.s32 v1, v4;
	_ =	sdelay $0x3  }
0x20: {  	s0 =	simm.s32 $0x80;
	v3 =	vperm.xlane v3, v2  }
0x21: {  	[tilespmem:s0], [sflag:$0x1] =	stream.indirect_vreg.gather [hbm4b:s3+s2], $0x80, v4, vm0, $0xb8;
	[tilespmem:$0x18080] =	vst v63  }
0x22: {  	v3 =	vadd.s32 v1, v3  }
0x23: {  	[tilespmem:s10], [sflag:$0x1] =	stream.indirect_vreg.gather [hbm4b:s4+s2], $0x80, v4, vm0, $0xb8;
	[tilespmem:$0x18080] =	vst v63  }
0x24: {  	_ = 	snop  }
0x25: {  	[tilespmem:s11], [sflag:$0x1] =	stream.indirect_vreg.gather [hbm4b:s5+s2], $0x80, v4, vm0, $0xb8;
	[tilespmem:$0x18080] =	vst v63  }
0x26: {  	_ = 	snop  }
0x27: {  	[tilespmem:s12], [sflag:$0x1] =	stream.indirect_vreg.gather [hbm4b:s3+s2], $0x80, v3, vm0, $0xb8;
	[tilespmem:$0x18080] =	vst v63  }
0x28: {  	_ = 	snop  }
0x29: {  	[tilespmem:s13], [sflag:$0x1] =	stream.indirect_vreg.gather [hbm4b:s4+s2], $0x80, v3, vm0, $0xb8;
	[tilespmem:$0x18080] =	vst v63  }
0x2a: {  	_ = 	snop  }
0x2b: {  	[tilespmem:s14], [sflag:$0x1] =	stream.indirect_vreg.gather [hbm4b:s5+s2], $0x80, v3, vm0, $0xb8;
	[tilespmem:$0x18080] =	vst v63  }
0x2c: {  	v3 =	vld [tilespmem:$0x10];
	_ =	sdelay $0x4  }
0x2d: {  	v49 =	vshrl.u32 v3, $0x3  }
0x2e: {  	v4 =	vmul.u32 $0x30, v49  }
0x2f: {  	v3 =	vand.u32 $0x7, v3  }
0x30: {  	v3 =	vor.u32 v3, v4  }
0x31: {  	v4 =	vperm.xlane v3, v0;
	_ =	sdelay $0x1  }
0x32: {  	v4 =	vadd.s32 v1, v4;
	_ =	sdelay $0x3  }
0x33: {  	v3 =	vperm.xlane v3, v2  }
0x34: {  	[tilespmem:s15], [sflag:$0x1] =	stream.indirect_vreg.gather [hbm4b:s3+s2], $0x80, v4, vm0, $0xb8;
	[tilespmem:$0x18080] =	vst v63  }
0x35: {  	v3 =	vadd.s32 v1, v3  }
0x36: {  	[tilespmem:s16], [sflag:$0x1] =	stream.indirect_vreg.gather [hbm4b:s4+s2], $0x80, v4, vm0, $0xb8;
	[tilespmem:$0x18080] =	vst v63  }
0x37: {  	_ = 	snop  }
0x38: {  	[tilespmem:s17], [sflag:$0x1] =	stream.indirect_vreg.gather [hbm4b:s5+s2], $0x80, v4, vm0, $0xb8;
	[tilespmem:$0x18080] =	vst v63  }
0x39: {  	_ = 	snop  }
0x3a: {  	[tilespmem:s18], [sflag:$0x1] =	stream.indirect_vreg.gather [hbm4b:s3+s2], $0x80, v3, vm0, $0xb8;
	[tilespmem:$0x18080] =	vst v63  }
0x3b: {  	_ = 	snop  }
0x3c: {  	[tilespmem:s19], [sflag:$0x1] =	stream.indirect_vreg.gather [hbm4b:s4+s2], $0x80, v3, vm0, $0xb8;
	[tilespmem:$0x18080] =	vst v63  }
0x3d: {  	_ = 	snop  }
0x3e: {  	[tilespmem:s20], [sflag:$0x1] =	stream.indirect_vreg.gather [hbm4b:s5+s2], $0x80, v3, vm0, $0xb8;
	[tilespmem:$0x18080] =	vst v63  }
0x3f: {  	v3 =	vld [tilespmem:$0x20];
	_ =	sdelay $0x4  }
0x40: {  	v50 =	vshrl.u32 v3, $0x3  }
0x41: {  	v4 =	vmul.u32 $0x30, v50  }
0x42: {  	v3 =	vand.u32 $0x7, v3  }
0x43: {  	v3 =	vor.u32 v3, v4  }
0x44: {  	v4 =	vperm.xlane v3, v0;
	_ =	sdelay $0x1  }
0x45: {  	v4 =	vadd.s32 v1, v4;
	_ =	sdelay $0x3  }
0x46: {  	v3 =	vperm.xlane v3, v2  }
0x47: {  	[tilespmem:s21], [sflag:$0x1] =	stream.indirect_vreg.gather [hbm4b:s3+s2], $0x80, v4, vm0, $0xb8;
	[tilespmem:$0x18080] =	vst v63  }
0x48: {  	v3 =	vadd.s32 v1, v3  }
0x49: {  	[tilespmem:s22], [sflag:$0x1] =	stream.indirect_vreg.gather [hbm4b:s4+s2], $0x80, v4, vm0, $0xb8;
	[tilespmem:$0x18080] =	vst v63  }
0x4a: {  	_ = 	snop  }
0x4b: {  	[tilespmem:s23], [sflag:$0x1] =	stream.indirect_vreg.gather [hbm4b:s5+s2], $0x80, v4, vm0, $0xb8;
	[tilespmem:$0x18080] =	vst v63  }
0x4c: {  	_ = 	snop  }
0x4d: {  	[tilespmem:s24], [sflag:$0x1] =	stream.indirect_vreg.gather [hbm4b:s3+s2], $0x80, v3, vm0, $0xb8;
	[tilespmem:$0x18080] =	vst v63  }
0x4e: {  	_ = 	snop  }
0x4f: {  	[tilespmem:s25], [sflag:$0x1] =	stream.indirect_vreg.gather [hbm4b:s4+s2], $0x80, v3, vm0, $0xb8;
	[tilespmem:$0x18080] =	vst v63  }
0x50: {  	_ = 	snop  }
0x51: {  	[tilespmem:s26], [sflag:$0x1] =	stream.indirect_vreg.gather [hbm4b:s5+s2], $0x80, v3, vm0, $0xb8;
	[tilespmem:$0x18080] =	vst v63  }
0x52: {  	v3 =	vld [tilespmem:$0x30];
	_ =	sdelay $0x4  }
0x53: {  	v51 =	vshrl.u32 v3, $0x3  }
0x54: {  	v4 =	vmul.u32 $0x30, v51  }
0x55: {  	v3 =	vand.u32 $0x7, v3  }
0x56: {  	v3 =	vor.u32 v3, v4  }
0x57: {  	v4 =	vperm.xlane v3, v0;
	_ =	sdelay $0x1  }
0x58: {  	v4 =	vadd.s32 v1, v4;
	_ =	sdelay $0x3  }
0x59: {  	v3 =	vperm.xlane v3, v2  }
0x5a: {  	[tilespmem:s28], [sflag:$0x1] =	stream.indirect_vreg.gather [hbm4b:s3+s2], $0x80, v4, vm0, $0xb8;
	[tilespmem:$0x18080] =	vst v63  }
0x5b: {  	v3 =	vadd.s32 v1, v3  }
0x5c: {  	[tilespmem:s29], [sflag:$0x1] =	stream.indirect_vreg.gather [hbm4b:s4+s2], $0x80, v4, vm0, $0xb8;
	[tilespmem:$0x18080] =	vst v63  }
0x5d: {  	_ = 	snop  }
0x5e: {  	[tilespmem:s30], [sflag:$0x1] =	stream.indirect_vreg.gather [hbm4b:s5+s2], $0x80, v4, vm0, $0xb8;
	[tilespmem:$0x18080] =	vst v63  }
0x5f: {  	_ = 	snop  }
0x60: {  	[tilespmem:s31], [sflag:$0x1] =	stream.indirect_vreg.gather [hbm4b:s3+s2], $0x80, v3, vm0, $0xb8;
	[tilespmem:$0x18080] =	vst v63  }
0x61: {  	s9 =	simm.s32 $0xB080  }
0x62: {  	[tilespmem:s9], [sflag:$0x1] =	stream.indirect_vreg.gather [hbm4b:s4+s2], $0x80, v3, vm0, $0xb8;
	[tilespmem:$0x18080] =	vst v63  }
0x63: {  	_ = 	snop  }
0x64: {  	[tilespmem:s8], [sflag:$0x1] =	stream.indirect_vreg.gather [hbm4b:s5+s2], $0x80, v3, vm0, $0xb8;
	[tilespmem:$0x18080] =	vst v63  }
0x65: {  	v3 =	vld [tilespmem:$0x40];
	_ =	sdelay $0x4  }
0x66: {  	v52 =	vshrl.u32 v3, $0x3  }
0x67: {  	v4 =	vmul.u32 $0x30, v52  }
0x68: {  	v3 =	vand.u32 $0x7, v3  }
0x69: {  	v3 =	vor.u32 v3, v4  }
0x6a: {  	v4 =	vperm.xlane v3, v0;
	_ =	sdelay $0x1  }
0x6b: {  	v4 =	vadd.s32 v1, v4;
	_ =	sdelay $0x3  }
0x6c: {  	s9 =	simm.s32 $0xC080;
	v3 =	vperm.xlane v3, v2  }
0x6d: {  	[tilespmem:s9], [sflag:$0x1] =	stream.indirect_vreg.gather [hbm4b:s3+s2], $0x80, v4, vm0, $0xb8;
	[tilespmem:$0x18080] =	vst v63  }
0x6e: {  	v3 =	vadd.s32 v1, v3;
	s9 =	simm.s32 $0xC880  }
0x6f: {  	[tilespmem:s9], [sflag:$0x1] =	stream.indirect_vreg.gather [hbm4b:s4+s2], $0x80, v4, vm0, $0xb8;
	[tilespmem:$0x18080] =	vst v63  }
0x70: {  	s9 =	simm.s32 $0xD080  }
0x71: {  	[tilespmem:s9], [sflag:$0x1] =	stream.indirect_vreg.gather [hbm4b:s5+s2], $0x80, v4, vm0, $0xb8;
	[tilespmem:$0x18080] =	vst v63  }
0x72: {  	s9 =	simm.s32 $0xD880  }
0x73: {  	[tilespmem:s9], [sflag:$0x1] =	stream.indirect_vreg.gather [hbm4b:s3+s2], $0x80, v3, vm0, $0xb8;
	[tilespmem:$0x18080] =	vst v63  }
0x74: {  	s9 =	simm.s32 $0xE080  }
0x75: {  	[tilespmem:s9], [sflag:$0x1] =	stream.indirect_vreg.gather [hbm4b:s4+s2], $0x80, v3, vm0, $0xb8;
	[tilespmem:$0x18080] =	vst v63  }
0x76: {  	s9 =	simm.s32 $0xE880  }
0x77: {  	[tilespmem:s9], [sflag:$0x1] =	stream.indirect_vreg.gather [hbm4b:s5+s2], $0x80, v3, vm0, $0xb8;
	[tilespmem:$0x18080] =	vst v63  }
0x78: {  	v3 =	vld [tilespmem:$0x50];
	_ =	sdelay $0x4  }
0x79: {  	v53 =	vshrl.u32 v3, $0x3  }
0x7a: {  	v4 =	vmul.u32 $0x30, v53  }
0x7b: {  	v3 =	vand.u32 $0x7, v3  }
0x7c: {  	v3 =	vor.u32 v3, v4  }
0x7d: {  	v4 =	vperm.xlane v3, v0;
	_ =	sdelay $0x1  }
0x7e: {  	v4 =	vadd.s32 v1, v4;
	_ =	sdelay $0x3  }
0x7f: {  	s9 =	simm.s32 $0xF080;
	v3 =	vperm.xlane v3, v2  }
0x80: {  	[tilespmem:s9], [sflag:$0x1] =	stream.indirect_vreg.gather [hbm4b:s3+s2], $0x80, v4, vm0, $0xb8;
	[tilespmem:$0x18080] =	vst v63  }
0x81: {  	v3 =	vadd.s32 v1, v3;
	s9 =	simm.s32 $0xF880  }
0x82: {  	[tilespmem:s9], [sflag:$0x1] =	stream.indirect_vreg.gather [hbm4b:s4+s2], $0x80, v4, vm0, $0xb8;
	[tilespmem:$0x18080] =	vst v63  }
0x83: {  	s9 =	simm.s32 $0x10080  }
0x84: {  	[tilespmem:s9], [sflag:$0x1] =	stream.indirect_vreg.gather [hbm4b:s5+s2], $0x80, v4, vm0, $0xb8;
	[tilespmem:$0x18080] =	vst v63  }
0x85: {  	s9 =	simm.s32 $0x10880  }
0x86: {  	[tilespmem:s9], [sflag:$0x1] =	stream.indirect_vreg.gather [hbm4b:s3+s2], $0x80, v3, vm0, $0xb8;
	[tilespmem:$0x18080] =	vst v63  }
0x87: {  	s9 =	simm.s32 $0x11080  }
0x88: {  	[tilespmem:s9], [sflag:$0x1] =	stream.indirect_vreg.gather [hbm4b:s4+s2], $0x80, v3, vm0, $0xb8;
	[tilespmem:$0x18080] =	vst v63  }
0x89: {  	s9 =	simm.s32 $0x11880  }
0x8a: {  	[tilespmem:s9], [sflag:$0x1] =	stream.indirect_vreg.gather [hbm4b:s5+s2], $0x80, v3, vm0, $0xb8;
	[tilespmem:$0x18080] =	vst v63  }
0x8b: {  	v3 =	vld [tilespmem:$0x60];
	_ =	sdelay $0x4  }
0x8c: {  	v54 =	vshrl.u32 v3, $0x3  }
0x8d: {  	v4 =	vmul.u32 $0x30, v54  }
0x8e: {  	v3 =	vand.u32 $0x7, v3  }
0x8f: {  	v3 =	vor.u32 v3, v4  }
0x90: {  	v4 =	vperm.xlane v3, v0;
	_ =	sdelay $0x1  }
0x91: {  	v4 =	vadd.s32 v1, v4;
	_ =	sdelay $0x3  }
0x92: {  	s9 =	simm.s32 $0x12080;
	v3 =	vperm.xlane v3, v2  }
0x93: {  	[tilespmem:s9], [sflag:$0x1] =	stream.indirect_vreg.gather [hbm4b:s3+s2], $0x80, v4, vm0, $0xb8;
	[tilespmem:$0x18080] =	vst v63  }
0x94: {  	v3 =	vadd.s32 v1, v3;
	s9 =	simm.s32 $0x12880  }
0x95: {  	[tilespmem:s9], [sflag:$0x1] =	stream.indirect_vreg.gather [hbm4b:s4+s2], $0x80, v4, vm0, $0xb8;
	[tilespmem:$0x18080] =	vst v63  }
0x96: {  	s9 =	simm.s32 $0x13080  }
0x97: {  	[tilespmem:s9], [sflag:$0x1] =	stream.indirect_vreg.gather [hbm4b:s5+s2], $0x80, v4, vm0, $0xb8;
	[tilespmem:$0x18080] =	vst v63  }
0x98: {  	s9 =	simm.s32 $0x13880  }
0x99: {  	[tilespmem:s9], [sflag:$0x1] =	stream.indirect_vreg.gather [hbm4b:s3+s2], $0x80, v3, vm0, $0xb8;
	[tilespmem:$0x18080] =	vst v63  }
0x9a: {  	s9 =	simm.s32 $0x14080  }
0x9b: {  	[tilespmem:s9], [sflag:$0x1] =	stream.indirect_vreg.gather [hbm4b:s4+s2], $0x80, v3, vm0, $0xb8;
	[tilespmem:$0x18080] =	vst v63  }
0x9c: {  	s9 =	simm.s32 $0x14880  }
0x9d: {  	[tilespmem:s9], [sflag:$0x1] =	stream.indirect_vreg.gather [hbm4b:s5+s2], $0x80, v3, vm0, $0xb8;
	[tilespmem:$0x18080] =	vst v63  }
0x9e: {  	v3 =	vld [tilespmem:$0x70];
	_ =	sdelay $0x4  }
0x9f: {  	v55 =	vshrl.u32 v3, $0x3  }
0xa0: {  	v4 =	vmul.u32 $0x30, v55  }
0xa1: {  	v3 =	vand.u32 $0x7, v3  }
0xa2: {  	v3 =	vor.u32 v3, v4  }
0xa3: {  	v4 =	vperm.xlane v3, v0;
	_ =	sdelay $0x1  }
0xa4: {  	v4 =	vadd.s32 v1, v4;
	_ =	sdelay $0x3  }
0xa5: {  	s9 =	simm.s32 $0x15080;
	v3 =	vperm.xlane v3, v2  }
0xa6: {  	[tilespmem:s9], [sflag:$0x1] =	stream.indirect_vreg.gather [hbm4b:s3+s2], $0x80, v4, vm0, $0xb8;
	[tilespmem:$0x18080] =	vst v63  }
0xa7: {  	v3 =	vadd.s32 v1, v3;
	s9 =	simm.s32 $0x15880  }
0xa8: {  	[tilespmem:s9], [sflag:$0x1] =	stream.indirect_vreg.gather [hbm4b:s4+s2], $0x80, v4, vm0, $0xb8;
	[tilespmem:$0x18080] =	vst v63  }
0xa9: {  	s9 =	simm.s32 $0x16080  }
0xaa: {  	[tilespmem:s9], [sflag:$0x1] =	stream.indirect_vreg.gather [hbm4b:s5+s2], $0x80, v4, vm0, $0xb8;
	[tilespmem:$0x18080] =	vst v63  }
0xab: {  	s9 =	simm.s32 $0x16880  }
0xac: {  	[tilespmem:s9], [sflag:$0x1] =	stream.indirect_vreg.gather [hbm4b:s3+s2], $0x80, v3, vm0, $0xb8;
	[tilespmem:$0x18080] =	vst v63  }
0xad: {  	s9 =	simm.s32 $0x17080  }
0xae: {  	[tilespmem:s9], [sflag:$0x1] =	stream.indirect_vreg.gather [hbm4b:s4+s2], $0x80, v3, vm0, $0xb8;
	[tilespmem:$0x18080] =	vst v63  }
0xaf: {  	s9 =	simm.s32 $0x17880  }
0xb0: {  	[tilespmem:s9], [sflag:$0x1] =	stream.indirect_vreg.gather [hbm4b:s5+s2], $0x80, v3, vm0, $0xb8;
	[tilespmem:$0x18080] =	vst v63  }
0xb1: {  	_ =	swait.ge [sflag:s1], $0x18000  }
0xb2: {  	[sflag:s1] =	ssyncset.done $0x0  }
0xb3: {  	s0 =	simm.s32 $0x80;
	s9 =	rddreg [dreg:$0x4];
	[sflag:s1] =	ssyncadd.s32 $0xFFFE8000  }
0xb4: {  	[hbm4b:s9+s2] =	stream.linear.scatter [tilespmem:s0], [sflag:$0x2], $0x18000, $0x38;
	[tilespmem:$0x18080] =	vst v63  }
0xb5: {  	_ =	swait.ge [sflag:s7], $0x18000  }
0xb6: {  	[sflag:s7] =	ssyncset.done $0x0  }
0xb7: {  	s9 =	rddreg [dreg:$0x5];
	[sflag:s7] =	ssyncadd.s32 $0xFFFE8000  }
0xb8: {  	[tilespmem:s2], [sflag:$0x2] =	stream.linear.gather [hbm4b:s9+s2], $0x80, $0x38;
	[tilespmem:$0x18080] =	vst v63  }
0xb9: {  	_ =	swait.ge [sflag:s7], $0x80  }
0xba: {  	[sflag:s7] =	ssyncset.done $0x0  }
0xbb: {  	[sflag:s7] =	ssyncadd.s32 $0xFFFFFF80  }
0xbc: {  	v3 =	vld [tilespmem:$0x0];
	_ =	sdelay $0x4  }
0xbd: {  	v56 =	vshrl.u32 v3, $0x3  }
0xbe: {  	v4 =	vmul.u32 $0x30, v56  }
0xbf: {  	v3 =	vand.u32 $0x7, v3  }
0xc0: {  	v3 =	vor.u32 v3, v4  }
0xc1: {  	v4 =	vperm.xlane v3, v0;
	_ =	sdelay $0x1  }
0xc2: {  	v4 =	vadd.s32 v1, v4;
	_ =	sdelay $0x3  }
0xc3: {  	v3 =	vperm.xlane v3, v2  }
0xc4: {  	[tilespmem:s0], [sflag:$0x1] =	stream.indirect_vreg.gather [hbm4b:s3+s2], $0x80, v4, vm0, $0xb8;
	[tilespmem:$0x18080] =	vst v63  }
0xc5: {  	v3 =	vadd.s32 v1, v3  }
0xc6: {  	[tilespmem:s10], [sflag:$0x1] =	stream.indirect_vreg.gather [hbm4b:s4+s2], $0x80, v4, vm0, $0xb8;
	[tilespmem:$0x18080] =	vst v63  }
0xc7: {  	_ = 	snop  }
0xc8: {  	[tilespmem:s11], [sflag:$0x1] =	stream.indirect_vreg.gather [hbm4b:s5+s2], $0x80, v4, vm0, $0xb8;
	[tilespmem:$0x18080] =	vst v63  }
0xc9: {  	_ = 	snop  }
0xca: {  	[tilespmem:s12], [sflag:$0x1] =	stream.indirect_vreg.gather [hbm4b:s3+s2], $0x80, v3, vm0, $0xb8;
	[tilespmem:$0x18080] =	vst v63  }
0xcb: {  	_ = 	snop  }
0xcc: {  	[tilespmem:s13], [sflag:$0x1] =	stream.indirect_vreg.gather [hbm4b:s4+s2], $0x80, v3, vm0, $0xb8;
	[tilespmem:$0x18080] =	vst v63  }
0xcd: {  	_ = 	snop  }
0xce: {  	[tilespmem:s14], [sflag:$0x1] =	stream.indirect_vreg.gather [hbm4b:s5+s2], $0x80, v3, vm0, $0xb8;
	[tilespmem:$0x18080] =	vst v63  }
0xcf: {  	v3 =	vld [tilespmem:$0x10];
	_ =	sdelay $0x4  }
0xd0: {  	v57 =	vshrl.u32 v3, $0x3  }
0xd1: {  	v4 =	vmul.u32 $0x30, v57  }
0xd2: {  	v3 =	vand.u32 $0x7, v3  }
0xd3: {  	v3 =	vor.u32 v3, v4  }
0xd4: {  	v4 =	vperm.xlane v3, v0;
	_ =	sdelay $0x1  }
0xd5: {  	v4 =	vadd.s32 v1, v4;
	_ =	sdelay $0x3  }
0xd6: {  	v3 =	vperm.xlane v3, v2  }
0xd7: {  	[tilespmem:s15], [sflag:$0x1] =	stream.indirect_vreg.gather [hbm4b:s3+s2], $0x80, v4, vm0, $0xb8;
	[tilespmem:$0x18080] =	vst v63  }
0xd8: {  	v3 =	vadd.s32 v1, v3  }
0xd9: {  	[tilespmem:s16], [sflag:$0x1] =	stream.indirect_vreg.gather [hbm4b:s4+s2], $0x80, v4, vm0, $0xb8;
	[tilespmem:$0x18080] =	vst v63  }
0xda: {  	_ = 	snop  }
0xdb: {  	[tilespmem:s17], [sflag:$0x1] =	stream.indirect_vreg.gather [hbm4b:s5+s2], $0x80, v4, vm0, $0xb8;
	[tilespmem:$0x18080] =	vst v63  }
0xdc: {  	_ = 	snop  }
0xdd: {  	[tilespmem:s18], [sflag:$0x1] =	stream.indirect_vreg.gather [hbm4b:s3+s2], $0x80, v3, vm0, $0xb8;
	[tilespmem:$0x18080] =	vst v63  }
0xde: {  	_ = 	snop  }
0xdf: {  	[tilespmem:s19], [sflag:$0x1] =	stream.indirect_vreg.gather [hbm4b:s4+s2], $0x80, v3, vm0, $0xb8;
	[tilespmem:$0x18080] =	vst v63  }
0xe0: {  	_ = 	snop  }
0xe1: {  	[tilespmem:s20], [sflag:$0x1] =	stream.indirect_vreg.gather [hbm4b:s5+s2], $0x80, v3, vm0, $0xb8;
	[tilespmem:$0x18080] =	vst v63  }
0xe2: {  	v3 =	vld [tilespmem:$0x20];
	_ =	sdelay $0x4  }
0xe3: {  	v58 =	vshrl.u32 v3, $0x3  }
0xe4: {  	v4 =	vmul.u32 $0x30, v58  }
0xe5: {  	v3 =	vand.u32 $0x7, v3  }
0xe6: {  	v3 =	vor.u32 v3, v4  }
0xe7: {  	v4 =	vperm.xlane v3, v0;
	_ =	sdelay $0x1  }
0xe8: {  	v4 =	vadd.s32 v1, v4;
	_ =	sdelay $0x3  }
0xe9: {  	v3 =	vperm.xlane v3, v2  }
0xea: {  	[tilespmem:s21], [sflag:$0x1] =	stream.indirect_vreg.gather [hbm4b:s3+s2], $0x80, v4, vm0, $0xb8;
	[tilespmem:$0x18080] =	vst v63  }
0xeb: {  	v3 =	vadd.s32 v1, v3  }
0xec: {  	[tilespmem:s22], [sflag:$0x1] =	stream.indirect_vreg.gather [hbm4b:s4+s2], $0x80, v4, vm0, $0xb8;
	[tilespmem:$0x18080] =	vst v63  }
0xed: {  	_ = 	snop  }
0xee: {  	[tilespmem:s23], [sflag:$0x1] =	stream.indirect_vreg.gather [hbm4b:s5+s2], $0x80, v4, vm0, $0xb8;
	[tilespmem:$0x18080] =	vst v63  }
0xef: {  	_ = 	snop  }
0xf0: {  	[tilespmem:s24], [sflag:$0x1] =	stream.indirect_vreg.gather [hbm4b:s3+s2], $0x80, v3, vm0, $0xb8;
	[tilespmem:$0x18080] =	vst v63  }
0xf1: {  	_ = 	snop  }
0xf2: {  	[tilespmem:s25], [sflag:$0x1] =	stream.indirect_vreg.gather [hbm4b:s4+s2], $0x80, v3, vm0, $0xb8;
	[tilespmem:$0x18080] =	vst v63  }
0xf3: {  	_ = 	snop  }
0xf4: {  	[tilespmem:s26], [sflag:$0x1] =	stream.indirect_vreg.gather [hbm4b:s5+s2], $0x80, v3, vm0, $0xb8;
	[tilespmem:$0x18080] =	vst v63  }
0xf5: {  	v3 =	vld [tilespmem:$0x30];
	_ =	sdelay $0x4  }
0xf6: {  	v59 =	vshrl.u32 v3, $0x3  }
0xf7: {  	v4 =	vmul.u32 $0x30, v59  }
0xf8: {  	v3 =	vand.u32 $0x7, v3  }
0xf9: {  	v3 =	vor.u32 v3, v4  }
0xfa: {  	v4 =	vperm.xlane v3, v0;
	_ =	sdelay $0x1  }
0xfb: {  	v4 =	vadd.s32 v1, v4;
	_ =	sdelay $0x3  }
0xfc: {  	v3 =	vperm.xlane v3, v2  }
0xfd: {  	[tilespmem:s28], [sflag:$0x1] =	stream.indirect_vreg.gather [hbm4b:s3+s2], $0x80, v4, vm0, $0xb8;
	[tilespmem:$0x18080] =	vst v63  }
0xfe: {  	v3 =	vadd.s32 v1, v3  }
0xff: {  	[tilespmem:s29], [sflag:$0x1] =	stream.indirect_vreg.gather [hbm4b:s4+s2], $0x80, v4, vm0, $0xb8;
	[tilespmem:$0x18080] =	vst v63  }
0x100: {  	_ = 	snop  }
0x101: {  	[tilespmem:s30], [sflag:$0x1] =	stream.indirect_vreg.gather [hbm4b:s5+s2], $0x80, v4, vm0, $0xb8;
	[tilespmem:$0x18080] =	vst v63  }
0x102: {  	_ = 	snop  }
0x103: {  	[tilespmem:s31], [sflag:$0x1] =	stream.indirect_vreg.gather [hbm4b:s3+s2], $0x80, v3, vm0, $0xb8;
	[tilespmem:$0x18080] =	vst v63  }
0x104: {  	s9 =	simm.s32 $0xB080  }
0x105: {  	[tilespmem:s9], [sflag:$0x1] =	stream.indirect_vreg.gather [hbm4b:s4+s2], $0x80, v3, vm0, $0xb8;
	[tilespmem:$0x18080] =	vst v63  }
0x106: {  	_ = 	snop  }
0x107: {  	[tilespmem:s8], [sflag:$0x1] =	stream.indirect_vreg.gather [hbm4b:s5+s2], $0x80, v3, vm0, $0xb8;
	[tilespmem:$0x18080] =	vst v63  }
0x108: {  	v3 =	vld [tilespmem:$0x40];
	_ =	sdelay $0x4  }
0x109: {  	v60 =	vshrl.u32 v3, $0x3  }
0x10a: {  	v4 =	vmul.u32 $0x30, v60  }
0x10b: {  	v3 =	vand.u32 $0x7, v3  }
0x10c: {  	v3 =	vor.u32 v3, v4  }
0x10d: {  	v4 =	vperm.xlane v3, v0;
	_ =	sdelay $0x1  }
0x10e: {  	v4 =	vadd.s32 v1, v4;
	_ =	sdelay $0x3  }
0x10f: {  	s9 =	simm.s32 $0xC080;
	v3 =	vperm.xlane v3, v2  }
0x110: {  	[tilespmem:s9], [sflag:$0x1] =	stream.indirect_vreg.gather [hbm4b:s3+s2], $0x80, v4, vm0, $0xb8;
	[tilespmem:$0x18080] =	vst v63  }
0x111: {  	v3 =	vadd.s32 v1, v3;
	s9 =	simm.s32 $0xC880  }
0x112: {  	[tilespmem:s9], [sflag:$0x1] =	stream.indirect_vreg.gather [hbm4b:s4+s2], $0x80, v4, vm0, $0xb8;
	[tilespmem:$0x18080] =	vst v63  }
0x113: {  	s9 =	simm.s32 $0xD080  }
0x114: {  	[tilespmem:s9], [sflag:$0x1] =	stream.indirect_vreg.gather [hbm4b:s5+s2], $0x80, v4, vm0, $0xb8;
	[tilespmem:$0x18080] =	vst v63  }
0x115: {  	s9 =	simm.s32 $0xD880  }
0x116: {  	[tilespmem:s9], [sflag:$0x1] =	stream.indirect_vreg.gather [hbm4b:s3+s2], $0x80, v3, vm0, $0xb8;
	[tilespmem:$0x18080] =	vst v63  }
0x117: {  	s9 =	simm.s32 $0xE080  }
0x118: {  	[tilespmem:s9], [sflag:$0x1] =	stream.indirect_vreg.gather [hbm4b:s4+s2], $0x80, v3, vm0, $0xb8;
	[tilespmem:$0x18080] =	vst v63  }
0x119: {  	s9 =	simm.s32 $0xE880  }
0x11a: {  	[tilespmem:s9], [sflag:$0x1] =	stream.indirect_vreg.gather [hbm4b:s5+s2], $0x80, v3, vm0, $0xb8;
	[tilespmem:$0x18080] =	vst v63  }
0x11b: {  	v3 =	vld [tilespmem:$0x50];
	_ =	sdelay $0x4  }
0x11c: {  	v61 =	vshrl.u32 v3, $0x3  }
0x11d: {  	v4 =	vmul.u32 $0x30, v61  }
0x11e: {  	v3 =	vand.u32 $0x7, v3  }
0x11f: {  	v3 =	vor.u32 v3, v4  }
0x120: {  	v4 =	vperm.xlane v3, v0;
	_ =	sdelay $0x1  }
0x121: {  	v4 =	vadd.s32 v1, v4;
	_ =	sdelay $0x3  }
0x122: {  	s9 =	simm.s32 $0xF080;
	v3 =	vperm.xlane v3, v2  }
0x123: {  	[tilespmem:s9], [sflag:$0x1] =	stream.indirect_vreg.gather [hbm4b:s3+s2], $0x80, v4, vm0, $0xb8;
	[tilespmem:$0x18080] =	vst v63  }
0x124: {  	v3 =	vadd.s32 v1, v3;
	s9 =	simm.s32 $0xF880  }
0x125: {  	[tilespmem:s9], [sflag:$0x1] =	stream.indirect_vreg.gather [hbm4b:s4+s2], $0x80, v4, vm0, $0xb8;
	[tilespmem:$0x18080] =	vst v63  }
0x126: {  	s9 =	simm.s32 $0x10080  }
0x127: {  	[tilespmem:s9], [sflag:$0x1] =	stream.indirect_vreg.gather [hbm4b:s5+s2], $0x80, v4, vm0, $0xb8;
	[tilespmem:$0x18080] =	vst v63  }
0x128: {  	s9 =	simm.s32 $0x10880  }
0x129: {  	[tilespmem:s9], [sflag:$0x1] =	stream.indirect_vreg.gather [hbm4b:s3+s2], $0x80, v3, vm0, $0xb8;
	[tilespmem:$0x18080] =	vst v63  }
0x12a: {  	s9 =	simm.s32 $0x11080  }
0x12b: {  	[tilespmem:s9], [sflag:$0x1] =	stream.indirect_vreg.gather [hbm4b:s4+s2], $0x80, v3, vm0, $0xb8;
	[tilespmem:$0x18080] =	vst v63  }
0x12c: {  	s9 =	simm.s32 $0x11880  }
0x12d: {  	[tilespmem:s9], [sflag:$0x1] =	stream.indirect_vreg.gather [hbm4b:s5+s2], $0x80, v3, vm0, $0xb8;
	[tilespmem:$0x18080] =	vst v63  }
0x12e: {  	v3 =	vld [tilespmem:$0x60];
	_ =	sdelay $0x4  }
0x12f: {  	v62 =	vshrl.u32 v3, $0x3  }
0x130: {  	v4 =	vmul.u32 $0x30, v62  }
0x131: {  	v3 =	vand.u32 $0x7, v3  }
0x132: {  	v3 =	vor.u32 v3, v4  }
0x133: {  	v4 =	vperm.xlane v3, v0;
	_ =	sdelay $0x1  }
0x134: {  	v4 =	vadd.s32 v1, v4;
	_ =	sdelay $0x3  }
0x135: {  	s9 =	simm.s32 $0x12080;
	v3 =	vperm.xlane v3, v2  }
0x136: {  	[tilespmem:s9], [sflag:$0x1] =	stream.indirect_vreg.gather [hbm4b:s3+s2], $0x80, v4, vm0, $0xb8;
	[tilespmem:$0x18080] =	vst v63  }
0x137: {  	v3 =	vadd.s32 v1, v3;
	s9 =	simm.s32 $0x12880  }
0x138: {  	[tilespmem:s9], [sflag:$0x1] =	stream.indirect_vreg.gather [hbm4b:s4+s2], $0x80, v4, vm0, $0xb8;
	[tilespmem:$0x18080] =	vst v63  }
0x139: {  	s9 =	simm.s32 $0x13080  }
0x13a: {  	[tilespmem:s9], [sflag:$0x1] =	stream.indirect_vreg.gather [hbm4b:s5+s2], $0x80, v4, vm0, $0xb8;
	[tilespmem:$0x18080] =	vst v63  }
0x13b: {  	s9 =	simm.s32 $0x13880  }
0x13c: {  	[tilespmem:s9], [sflag:$0x1] =	stream.indirect_vreg.gather [hbm4b:s3+s2], $0x80, v3, vm0, $0xb8;
	[tilespmem:$0x18080] =	vst v63  }
0x13d: {  	s9 =	simm.s32 $0x14080  }
0x13e: {  	[tilespmem:s9], [sflag:$0x1] =	stream.indirect_vreg.gather [hbm4b:s4+s2], $0x80, v3, vm0, $0xb8;
	[tilespmem:$0x18080] =	vst v63  }
0x13f: {  	s9 =	simm.s32 $0x14880  }
0x140: {  	[tilespmem:s9], [sflag:$0x1] =	stream.indirect_vreg.gather [hbm4b:s5+s2], $0x80, v3, vm0, $0xb8;
	[tilespmem:$0x18080] =	vst v63  }
0x141: {  	v3 =	vld [tilespmem:$0x70];
	_ =	sdelay $0x4  }
0x142: {  	v63 =	vshrl.u32 v3, $0x3  }
0x143: {  	v4 =	vmul.u32 $0x30, v63  }
0x144: {  	v3 =	vand.u32 $0x7, v3  }
0x145: {  	v3 =	vor.u32 v3, v4  }
0x146: {  	v4 =	vperm.xlane v3, v0;
	_ =	sdelay $0x1  }
0x147: {  	v4 =	vadd.s32 v1, v4;
	_ =	sdelay $0x3  }
0x148: {  	s9 =	simm.s32 $0x15080;
	v3 =	vperm.xlane v3, v2  }
0x149: {  	[tilespmem:s9], [sflag:$0x1] =	stream.indirect_vreg.gather [hbm4b:s3+s2], $0x80, v4, vm0, $0xb8;
	[tilespmem:$0x18080] =	vst v63  }
0x14a: {  	v3 =	vadd.s32 v1, v3;
	s9 =	simm.s32 $0x15880  }
0x14b: {  	[tilespmem:s9], [sflag:$0x1] =	stream.indirect_vreg.gather [hbm4b:s4+s2], $0x80, v4, vm0, $0xb8;
	[tilespmem:$0x18080] =	vst v63  }
0x14c: {  	s9 =	simm.s32 $0x16080  }
0x14d: {  	[tilespmem:s9], [sflag:$0x1] =	stream.indirect_vreg.gather [hbm4b:s5+s2], $0x80, v4, vm0, $0xb8;
	[tilespmem:$0x18080] =	vst v63  }
0x14e: {  	s9 =	simm.s32 $0x16880  }
0x14f: {  	[tilespmem:s9], [sflag:$0x1] =	stream.indirect_vreg.gather [hbm4b:s3+s2], $0x80, v3, vm0, $0xb8;
	[tilespmem:$0x18080] =	vst v63  }
0x150: {  	s9 =	simm.s32 $0x17080  }
0x151: {  	[tilespmem:s9], [sflag:$0x1] =	stream.indirect_vreg.gather [hbm4b:s4+s2], $0x80, v3, vm0, $0xb8;
	[tilespmem:$0x18080] =	vst v63  }
0x152: {  	s9 =	simm.s32 $0x17880  }
0x153: {  	[tilespmem:s9], [sflag:$0x1] =	stream.indirect_vreg.gather [hbm4b:s5+s2], $0x80, v3, vm0, $0xb8;
	[tilespmem:$0x18080] =	vst v63  }
0x154: {  	_ =	swait.ge [sflag:s1], $0x18000  }
0x155: {  	p0 =	sne.s32 s6, $0x1;
	s0 =	simm.s32 $0x80;
	[sflag:s1] =	ssyncset.done $0x0  }
.Ltmp0:
0x156: {  	s9 =	rddreg [dreg:$0x6];
	[sflag:s1] =	ssyncadd.s32 $0xFFFE8000;
	(pc) =	sbr.rel @p0 .LBB2_1-.Ltmp0, $4  }
0x157: {  	[hbm4b:s9+s2] =	stream.linear.scatter [tilespmem:s0], [sflag:$0x2], $0x18000, $0x38;
	[tilespmem:$0x18080] =	vst v63  }
0x158: {  	_ =	swait.ge [sflag:s7], $0x18000  }
0x159: {  	[sflag:s7] =	ssyncset.done $0x0  }
0x15a: {  	s6 =	sadd.s32 $0xFFFFFFFF, s6;
	[sflag:s7] =	ssyncadd.s32 $0xFFFE8000  }
0x15b: {  	_ =	sfence.sel $0x180000  }
0x15c: {  	[bflag:$0x0] =	sbarrier.arrive $0xFFFF  }
0x15d: {  	_ =	strace $0x9000004A  }
0x15e: {  	s0 =	stileid.u32;
	[bflag:$0x2] =	sbarrier.arrive $0xFFFF  }
0x15f: {  	p0 =	sne.s32 s0, $0x0;
	s0 =	rddreg [dreg:$0x2]  }
0x160: {  	s0 =	sadd.s32 @!p0 $0x100000, s0  }
0x161: {  	[sflag:s0] =	ssyncadd.tile.s32 @!p0 $0x1;
	_ =	shalt  }
.Lfunc_end2:
_tile_overlayer_lowered:
.L_overlay_start_2:
0x162: {  	(tag) =	ssettag $0x2  }
0x163: {  	s0 =	rddreg [dreg:$0x0];
	s2 =	stileid.u32  }
0x164: {  	s1 =	rddreg [dreg:$0x1];
	p0 =	sne.s32 s2, $0x0  }
0x165: {  	s3 =	rddreg [dreg:$0x2];
	[bflag:$0x3] =	sbarrier.arrive $0xFFFF;
	s2 =	simm.s32 @!p0 $0x1C02  }
0x166: {  	[timem:s3], [sflag:s2] =	dma.local @!p0 [hbm:s0], s1  }
0x167: {  	s0 =	simm.s32 @!p0 $0x2  }
0x168: {  	_ =	swait.ge @!p0 [sflag:s0], s1  }
0x169: {  	s1 =	ssub.s32 @!p0 $0x0, s1;
	[sflag:s0] =	ssyncset.done @!p0 $0x0  }
0x16a: {  	[sflag:s0] =	ssyncadd.s32 @!p0 s1  }
0x16b: {  	[bflag:$0x3] =	sbarrier.arrive $0xFFFF  }
0x16c: {  	_ =	shalt  }

</sc_bundles>
